<compile_context>
chip_gen: v7x
topology: tpu7x:2x2x1
jax: 0.10.2.dev20260603
libtpu: 0.0.44.dev20260713+nightly
codegen_flags: <defaults>
</compile_context>

<pallas_src>
import functools
import math

import jax
import jax.numpy as jnp
from jax import lax
from jax.experimental import pallas as pl
from jax.experimental.pallas import tpu as pltpu
from jax.experimental.pallas import tpu_sc as plsc

_CUBIC = -0.014
_QUARTIC = 5.6e-05
_PENTIC = -7e-07
_SEXTIC = 2.2e-08

_NC = 2
_NS = 16
_NW = _NC * _NS
_L = 16
_SUB = 128

_PI = math.pi
_A0 = 1.5707288
_A1 = -0.2121144
_A2 = 0.0742610
_A3 = -0.0187293


def _rsqrt(x):
    i = plsc.bitcast(x, jnp.int32)
    i = jnp.int32(0x5F3759DF) - lax.shift_right_logical(i, 1)
    y = plsc.bitcast(i, jnp.float32)
    for _ in range(3):
        y = y * (1.5 - 0.5 * x * y * y)
    return y


def _arccos(x):
    a = jnp.abs(x)
    p = ((_A3 * a + _A2) * a + _A1) * a + _A0
    u = 1.0 - a
    s = u * _rsqrt(jnp.maximum(u, 1e-30))
    r = s * p
    return jnp.where(x >= 0.0, r, _PI - r)


def _make_kernel(nsub, nwords):
    mesh = plsc.VectorSubcoreMesh(core_axis_name="c", subcore_axis_name="s")
    chunk = nsub * _SUB
    idx_t = pltpu.VMEM((_SUB,), jnp.int32)
    comp_t = pltpu.VMEM((_SUB,), jnp.float32)

    @functools.partial(
        pl.kernel,
        out_type=jax.ShapeDtypeStruct((_NW, _L), jnp.float32),
        mesh=mesh,
        compiler_params=pltpu.CompilerParams(needs_layout_passes=False),
        scratch_types=[
            [pltpu.VMEM_SHARED((nwords,), jnp.float32)] * 3,
            [pltpu.VMEM((nsub, _SUB), jnp.int32)] * 3,
            pltpu.VMEM((chunk,), jnp.float32),
            pltpu.VMEM((chunk,), jnp.float32),
            [idx_t] * 3,
            [comp_t] * 9,
            pltpu.VMEM((_L,), jnp.float32),
            [pltpu.SemaphoreType.DMA] * 2,
        ],
    )
    def angle_energy(coords_hbm, rows_hbm, t0_hbm, kk_hbm, out_hbm,
                     csh_v, rows_v, t0_v, kk_v,
                     idx_a, buf_a, acc_v, sems):
        s_id = lax.axis_index("s")
        w = s_id * _NC + lax.axis_index("c")

        for d in range(3):
            @pl.when(s_id == d)
            def _(d=d):
                pltpu.sync_copy(coords_hbm[d], csh_v[d])

        for p in range(3):
            pltpu.sync_copy(rows_hbm[p].at[w], rows_v[p])
        pltpu.sync_copy(t0_hbm.at[pl.ds(w * chunk, chunk)], t0_v)
        pltpu.sync_copy(kk_hbm.at[pl.ds(w * chunk, chunk)], kk_v)
        plsc.subcore_barrier()

        lanes = lax.iota(jnp.int32, _L)

        def build(si, idxb):
            for g in range(_SUB // _L):
                sl = pl.ds(g * _L, _L)
                idxb[0][sl] = rows_v[0][si, sl]
                idxb[1][sl] = rows_v[1][si, sl]
                idxb[2][sl] = rows_v[2][si, sl]

        def fire(idxb, buf, sem):
            for v in range(3):
                for d in range(3):
                    pltpu.async_copy(csh_v[d].at[idxb[v]], buf[3 * v + d], sem)

        def drain(idxb, buf, sem):
            for v in range(3):
                for d in range(3):
                    pltpu.make_async_copy(
                        csh_v[d].at[idxb[v]], buf[3 * v + d], sem).wait()

        def compute(si, buf, acc):
            for g in range(_SUB // _L):
                sl = pl.ds(g * _L, _L)
                xi, yi, zi = buf[0][sl], buf[1][sl], buf[2][sl]
                xj, yj, zj = buf[3][sl], buf[4][sl], buf[5][sl]
                xk, yk, zk = buf[6][sl], buf[7][sl], buf[8][sl]
                v1x = xi - xj
                v1y = yi - yj
                v1z = zi - zj
                v2x = xk - xj
                v2y = yk - yj
                v2z = zk - zj
                dot = v1x * v2x + v1y * v2y + v1z * v2z
                m1 = v1x * v1x + v1y * v1y + v1z * v1z
                m2 = v2x * v2x + v2y * v2y + v2z * v2z
                cos = dot * _rsqrt(jnp.maximum(m1 * m2, 1e-30))
                cos = jnp.minimum(jnp.maximum(cos, -1.0), 1.0)
                theta = _arccos(cos)
                base = si * _SUB + g * _L
                t0 = t0_v[pl.ds(base, _L)]
                kk = kk_v[pl.ds(base, _L)]
                dt = theta - t0
                poly = 1.0 + dt * (_CUBIC + dt * (_QUARTIC + dt * (_PENTIC + dt * _SEXTIC)))
                acc = acc + kk * (dt * dt) * poly
            return acc

        def sub(si, acc):
            build(si, idx_a)
            fire(idx_a, buf_a, sems[0])
            drain(idx_a, buf_a, sems[0])
            return compute(si, buf_a, acc)

        acc = lax.fori_loop(0, nsub, sub, jnp.zeros((_L,), jnp.float32))
        acc_v[...] = acc
        pltpu.sync_copy(acc_v, out_hbm.at[w])

    return angle_energy


def kernel(coords, angles, theta0, k):
    m = angles.shape[0]
    n = coords.shape[0]
    group = _NW * _SUB
    nsub = -(-m // group)
    mp = nsub * group
    pad = mp - m
    idx = jnp.pad(angles.astype(jnp.int32), ((0, pad), (0, 0)))
    shape3 = (_NW, nsub, _SUB)
    rows3 = [idx[:, p].reshape(shape3) for p in range(3)]
    t0 = jnp.pad(theta0.astype(jnp.float32), (0, pad))
    kk = jnp.pad(k.astype(jnp.float32), (0, pad))
    cf = coords.astype(jnp.float32)
    xyz = [cf[:, d] for d in range(3)]
    partials = _make_kernel(nsub, n)(xyz, rows3, t0, kk)
    return jnp.sum(partials)

# --- scband reference (transcript-rebuilt; emitter-appended) ---
"""Pipeline reference for scband-amoeba-angle-5454608466127 (READ-ONLY COPY).

The authoritative reference and input builder live on the scoring server;
editing this copy changes nothing except your own understanding.
"""

import jax, jax.numpy as jnp
import numpy as np

CUBIC = -0.014
QUARTIC = 5.6e-05
PENTIC = -7e-07
SEXTIC = 2.2e-08


def setup_inputs(seed: int = 0) -> dict:
    key = jax.random.key(seed)
    k1, k2, k3, k4 = jax.random.split(key, 4)
    N = 100000
    M = 200000
    coords = jax.random.normal(k1, (N, 3), dtype=jnp.float32)
    angles = jax.random.randint(k2, (M, 3), 0, N, dtype=jnp.int64)
    theta0 = jax.random.uniform(k3, (M,), dtype=jnp.float32)
    k = jax.random.uniform(k4, (M,), dtype=jnp.float32)
    return {"coords": coords, "angles": angles, "theta0": theta0, "k": k}


def _compute_angles(coords, angles):
    ci = jnp.take(coords, angles[:, 0], axis=0)
    cj = jnp.take(coords, angles[:, 1], axis=0)
    ck = jnp.take(coords, angles[:, 2], axis=0)
    v1 = ci - cj
    v2 = ck - cj
    dot_product = jnp.sum(v1 * v2, axis=1)
    mag_v1 = jnp.linalg.norm(v1, axis=1)
    mag_v2 = jnp.linalg.norm(v2, axis=1)
    cos_theta = dot_product / (mag_v1 * mag_v2)
    cos_theta = jnp.clip(cos_theta, -1.0, 1.0)
    return jnp.arccos(cos_theta)


def reference(coords, angles, theta0, k):
    theta = _compute_angles(coords, angles)
    dtheta = theta - theta0
    poly = 1.0 + CUBIC * dtheta + QUARTIC * dtheta ** 2 + PENTIC * dtheta ** 3 + SEXTIC * dtheta ** 4
    ene = k * dtheta ** 2 * poly
    return jnp.sum(ene)

if __name__ == "__main__":
    import jax
    _d = setup_inputs()
    print(jax.jit(kernel)(*tuple(_d.values())))

</pallas_src>

<mosaic_0001>
#map = affine_map<(d0, d1) -> (0)>
#map1 = affine_map<(d0, d1) -> (0, 0, 0)>
#map2 = affine_map<(d0, d1) -> (0, 0)>
module attributes {stable_mosaic.version = 14 : i64} {
  func.func @angle_energy(%arg0: i32, %arg1: i32, %arg2: memref<100000xf32, #tpu.memory_space<hbm>>, %arg3: memref<100000xf32, #tpu.memory_space<hbm>>, %arg4: memref<100000xf32, #tpu.memory_space<hbm>>, %arg5: memref<32x49x128xi32, #tpu.memory_space<hbm>>, %arg6: memref<32x49x128xi32, #tpu.memory_space<hbm>>, %arg7: memref<32x49x128xi32, #tpu.memory_space<hbm>>, %arg8: memref<200704xf32, #tpu.memory_space<hbm>>, %arg9: memref<200704xf32, #tpu.memory_space<hbm>>, %arg10: memref<32x16xf32, #tpu.memory_space<hbm>>, %arg11: memref<100000xf32, #tpu.memory_space<vmem_shared>>, %arg12: memref<100000xf32, #tpu.memory_space<vmem_shared>>, %arg13: memref<100000xf32, #tpu.memory_space<vmem_shared>>, %arg14: memref<49x128xi32, #tpu.memory_space<vmem>>, %arg15: memref<49x128xi32, #tpu.memory_space<vmem>>, %arg16: memref<49x128xi32, #tpu.memory_space<vmem>>, %arg17: memref<6272xf32, #tpu.memory_space<vmem>>, %arg18: memref<6272xf32, #tpu.memory_space<vmem>>, %arg19: memref<128xi32, #tpu.memory_space<vmem>>, %arg20: memref<128xi32, #tpu.memory_space<vmem>>, %arg21: memref<128xi32, #tpu.memory_space<vmem>>, %arg22: memref<128xf32, #tpu.memory_space<vmem>>, %arg23: memref<128xf32, #tpu.memory_space<vmem>>, %arg24: memref<128xf32, #tpu.memory_space<vmem>>, %arg25: memref<128xf32, #tpu.memory_space<vmem>>, %arg26: memref<128xf32, #tpu.memory_space<vmem>>, %arg27: memref<128xf32, #tpu.memory_space<vmem>>, %arg28: memref<128xf32, #tpu.memory_space<vmem>>, %arg29: memref<128xf32, #tpu.memory_space<vmem>>, %arg30: memref<128xf32, #tpu.memory_space<vmem>>, %arg31: memref<16xf32, #tpu.memory_space<vmem>>, %arg32: memref<!tpu.dma_semaphore, #tpu.memory_space<semaphore_mem>>, %arg33: memref<!tpu.dma_semaphore, #tpu.memory_space<semaphore_mem>>) attributes {dimension_semantics = [#tpu.dimension_semantics<core_parallel>, #tpu.dimension_semantics<subcore_parallel>], iteration_bounds = array<i64: 2, 16>, scalar_prefetch = 0 : i64, scratch_operands = 23 : i64, tpu.core_type = #tpu.core_type<sc_vector_subcore>, window_params = [{transform_indices = #map}, {transform_indices = #map}, {transform_indices = #map}, {transform_indices = #map1}, {transform_indices = #map1}, {transform_indices = #map1}, {transform_indices = #map}, {transform_indices = #map}, {transform_indices = #map2}]} {
    %mul3A = arith.constant 2 : i32
    %mul3A_0 = arith.muli %arg1, %mul3A : i32
    %add3A = arith.addi %mul3A_0, %arg0 : i32
    %eq3A = arith.constant 0 : i32
    %eq3A_1 = arith.cmpi eq, %arg1, %eq3A : i32
    %convert_element_type3A = arith.extui %eq3A_1 : i1 to i32
    %cond3A = arith.constant 0 : i32
    %cond3A_2 = arith.cmpi ne, %convert_element_type3A, %cond3A : i32
    scf.if %cond3A_2 {
      "tpu.region"() ({
        %run_scoped3A = tpu.sem_alloc : memref<!tpu.dma_semaphore, #tpu.memory_space<semaphore_mem>>
        tpu.enqueue_dma source(%arg2 : memref<100000xf32, #tpu.memory_space<hbm>>) target(%arg11 : memref<100000xf32, #tpu.memory_space<vmem_shared>>) target_semaphore(%run_scoped3A : memref<!tpu.dma_semaphore, #tpu.memory_space<semaphore_mem>>)
        tpu.wait_dma2 semaphore(%run_scoped3A : memref<!tpu.dma_semaphore, #tpu.memory_space<semaphore_mem>>) src(%arg2 : memref<100000xf32, #tpu.memory_space<hbm>>) dst(%arg11 : memref<100000xf32, #tpu.memory_space<vmem_shared>>)
        tpu.yield
      }) : () -> ()
    } else {
    }
    %eq3A_3 = arith.constant 1 : i32
    %eq3A_4 = arith.cmpi eq, %arg1, %eq3A_3 : i32
    %convert_element_type3A_5 = arith.extui %eq3A_4 : i1 to i32
    %cond3A_6 = arith.constant 0 : i32
    %cond3A_7 = arith.cmpi ne, %convert_element_type3A_5, %cond3A_6 : i32
    scf.if %cond3A_7 {
      "tpu.region"() ({
        %run_scoped3A = tpu.sem_alloc : memref<!tpu.dma_semaphore, #tpu.memory_space<semaphore_mem>>
        tpu.enqueue_dma source(%arg3 : memref<100000xf32, #tpu.memory_space<hbm>>) target(%arg12 : memref<100000xf32, #tpu.memory_space<vmem_shared>>) target_semaphore(%run_scoped3A : memref<!tpu.dma_semaphore, #tpu.memory_space<semaphore_mem>>)
        tpu.wait_dma2 semaphore(%run_scoped3A : memref<!tpu.dma_semaphore, #tpu.memory_space<semaphore_mem>>) src(%arg3 : memref<100000xf32, #tpu.memory_space<hbm>>) dst(%arg12 : memref<100000xf32, #tpu.memory_space<vmem_shared>>)
        tpu.yield
      }) : () -> ()
    } else {
    }
    %eq3A_8 = arith.constant 2 : i32
    %eq3A_9 = arith.cmpi eq, %arg1, %eq3A_8 : i32
    %convert_element_type3A_10 = arith.extui %eq3A_9 : i1 to i32
    %cond3A_11 = arith.constant 0 : i32
    %cond3A_12 = arith.cmpi ne, %convert_element_type3A_10, %cond3A_11 : i32
    scf.if %cond3A_12 {
      "tpu.region"() ({
        %run_scoped3A = tpu.sem_alloc : memref<!tpu.dma_semaphore, #tpu.memory_space<semaphore_mem>>
        tpu.enqueue_dma source(%arg4 : memref<100000xf32, #tpu.memory_space<hbm>>) target(%arg13 : memref<100000xf32, #tpu.memory_space<vmem_shared>>) target_semaphore(%run_scoped3A : memref<!tpu.dma_semaphore, #tpu.memory_space<semaphore_mem>>)
        tpu.wait_dma2 semaphore(%run_scoped3A : memref<!tpu.dma_semaphore, #tpu.memory_space<semaphore_mem>>) src(%arg4 : memref<100000xf32, #tpu.memory_space<hbm>>) dst(%arg13 : memref<100000xf32, #tpu.memory_space<vmem_shared>>)
        tpu.yield
      }) : () -> ()
    } else {
    }
    "tpu.region"() ({
      %run_scoped3A = tpu.sem_alloc : memref<!tpu.dma_semaphore, #tpu.memory_space<semaphore_mem>>
      %dma_start3A = arith.constant 0 : i32
      %dma_start3A_24 = arith.constant 0 : i32
      %dma_start3A_25 = tpu.memref_slice %arg5[%add3A, %dma_start3A, %dma_start3A_24] : memref<32x49x128xi32, #tpu.memory_space<hbm>> -> memref<1x49x128xi32, #tpu.memory_space<hbm>>
      %dma_start3A_26 = tpu.memref_squeeze %dma_start3A_25 : memref<1x49x128xi32, #tpu.memory_space<hbm>> -> memref<49x128xi32, #tpu.memory_space<hbm>>
      %dma_start3A_27 = arith.constant 0 : i32
      %dma_start3A_28 = arith.constant 0 : i32
      %dma_start3A_29 = tpu.memref_slice %arg5[%add3A, %dma_start3A_27, %dma_start3A_28] : memref<32x49x128xi32, #tpu.memory_space<hbm>> -> memref<1x49x128xi32, #tpu.memory_space<hbm>>
      %dma_start3A_30 = tpu.memref_squeeze %dma_start3A_29 : memref<1x49x128xi32, #tpu.memory_space<hbm>> -> memref<49x128xi32, #tpu.memory_space<hbm>>
      tpu.enqueue_dma source(%dma_start3A_30 : memref<49x128xi32, #tpu.memory_space<hbm>>) target(%arg14 : memref<49x128xi32, #tpu.memory_space<vmem>>) target_semaphore(%run_scoped3A : memref<!tpu.dma_semaphore, #tpu.memory_space<semaphore_mem>>)
      %dma_wait3A = arith.constant 0 : i32
      %dma_wait3A_31 = arith.constant 0 : i32
      %dma_wait3A_32 = tpu.memref_slice %arg5[%add3A, %dma_wait3A, %dma_wait3A_31] : memref<32x49x128xi32, #tpu.memory_space<hbm>> -> memref<1x49x128xi32, #tpu.memory_space<hbm>>
      %dma_wait3A_33 = tpu.memref_squeeze %dma_wait3A_32 : memref<1x49x128xi32, #tpu.memory_space<hbm>> -> memref<49x128xi32, #tpu.memory_space<hbm>>
      %dma_wait3A_34 = arith.constant 0 : i32
      %dma_wait3A_35 = arith.constant 0 : i32
      %dma_wait3A_36 = tpu.memref_slice %arg5[%add3A, %dma_wait3A_34, %dma_wait3A_35] : memref<32x49x128xi32, #tpu.memory_space<hbm>> -> memref<1x49x128xi32, #tpu.memory_space<hbm>>
      %dma_wait3A_37 = tpu.memref_squeeze %dma_wait3A_36 : memref<1x49x128xi32, #tpu.memory_space<hbm>> -> memref<49x128xi32, #tpu.memory_space<hbm>>
      tpu.wait_dma2 semaphore(%run_scoped3A : memref<!tpu.dma_semaphore, #tpu.memory_space<semaphore_mem>>) src(%dma_wait3A_37 : memref<49x128xi32, #tpu.memory_space<hbm>>) dst(%arg14 : memref<49x128xi32, #tpu.memory_space<vmem>>)
      tpu.yield
    }) : () -> ()
    "tpu.region"() ({
      %run_scoped3A = tpu.sem_alloc : memref<!tpu.dma_semaphore, #tpu.memory_space<semaphore_mem>>
      %dma_start3A = arith.constant 0 : i32
      %dma_start3A_24 = arith.constant 0 : i32
      %dma_start3A_25 = tpu.memref_slice %arg6[%add3A, %dma_start3A, %dma_start3A_24] : memref<32x49x128xi32, #tpu.memory_space<hbm>> -> memref<1x49x128xi32, #tpu.memory_space<hbm>>
      %dma_start3A_26 = tpu.memref_squeeze %dma_start3A_25 : memref<1x49x128xi32, #tpu.memory_space<hbm>> -> memref<49x128xi32, #tpu.memory_space<hbm>>
      %dma_start3A_27 = arith.constant 0 : i32
      %dma_start3A_28 = arith.constant 0 : i32
      %dma_start3A_29 = tpu.memref_slice %arg6[%add3A, %dma_start3A_27, %dma_start3A_28] : memref<32x49x128xi32, #tpu.memory_space<hbm>> -> memref<1x49x128xi32, #tpu.memory_space<hbm>>
      %dma_start3A_30 = tpu.memref_squeeze %dma_start3A_29 : memref<1x49x128xi32, #tpu.memory_space<hbm>> -> memref<49x128xi32, #tpu.memory_space<hbm>>
      tpu.enqueue_dma source(%dma_start3A_30 : memref<49x128xi32, #tpu.memory_space<hbm>>) target(%arg15 : memref<49x128xi32, #tpu.memory_space<vmem>>) target_semaphore(%run_scoped3A : memref<!tpu.dma_semaphore, #tpu.memory_space<semaphore_mem>>)
      %dma_wait3A = arith.constant 0 : i32
      %dma_wait3A_31 = arith.constant 0 : i32
      %dma_wait3A_32 = tpu.memref_slice %arg6[%add3A, %dma_wait3A, %dma_wait3A_31] : memref<32x49x128xi32, #tpu.memory_space<hbm>> -> memref<1x49x128xi32, #tpu.memory_space<hbm>>
      %dma_wait3A_33 = tpu.memref_squeeze %dma_wait3A_32 : memref<1x49x128xi32, #tpu.memory_space<hbm>> -> memref<49x128xi32, #tpu.memory_space<hbm>>
      %dma_wait3A_34 = arith.constant 0 : i32
      %dma_wait3A_35 = arith.constant 0 : i32
      %dma_wait3A_36 = tpu.memref_slice %arg6[%add3A, %dma_wait3A_34, %dma_wait3A_35] : memref<32x49x128xi32, #tpu.memory_space<hbm>> -> memref<1x49x128xi32, #tpu.memory_space<hbm>>
      %dma_wait3A_37 = tpu.memref_squeeze %dma_wait3A_36 : memref<1x49x128xi32, #tpu.memory_space<hbm>> -> memref<49x128xi32, #tpu.memory_space<hbm>>
      tpu.wait_dma2 semaphore(%run_scoped3A : memref<!tpu.dma_semaphore, #tpu.memory_space<semaphore_mem>>) src(%dma_wait3A_37 : memref<49x128xi32, #tpu.memory_space<hbm>>) dst(%arg15 : memref<49x128xi32, #tpu.memory_space<vmem>>)
      tpu.yield
    }) : () -> ()
    "tpu.region"() ({
      %run_scoped3A = tpu.sem_alloc : memref<!tpu.dma_semaphore, #tpu.memory_space<semaphore_mem>>
      %dma_start3A = arith.constant 0 : i32
      %dma_start3A_24 = arith.constant 0 : i32
      %dma_start3A_25 = tpu.memref_slice %arg7[%add3A, %dma_start3A, %dma_start3A_24] : memref<32x49x128xi32, #tpu.memory_space<hbm>> -> memref<1x49x128xi32, #tpu.memory_space<hbm>>
      %dma_start3A_26 = tpu.memref_squeeze %dma_start3A_25 : memref<1x49x128xi32, #tpu.memory_space<hbm>> -> memref<49x128xi32, #tpu.memory_space<hbm>>
      %dma_start3A_27 = arith.constant 0 : i32
      %dma_start3A_28 = arith.constant 0 : i32
      %dma_start3A_29 = tpu.memref_slice %arg7[%add3A, %dma_start3A_27, %dma_start3A_28] : memref<32x49x128xi32, #tpu.memory_space<hbm>> -> memref<1x49x128xi32, #tpu.memory_space<hbm>>
      %dma_start3A_30 = tpu.memref_squeeze %dma_start3A_29 : memref<1x49x128xi32, #tpu.memory_space<hbm>> -> memref<49x128xi32, #tpu.memory_space<hbm>>
      tpu.enqueue_dma source(%dma_start3A_30 : memref<49x128xi32, #tpu.memory_space<hbm>>) target(%arg16 : memref<49x128xi32, #tpu.memory_space<vmem>>) target_semaphore(%run_scoped3A : memref<!tpu.dma_semaphore, #tpu.memory_space<semaphore_mem>>)
      %dma_wait3A = arith.constant 0 : i32
      %dma_wait3A_31 = arith.constant 0 : i32
      %dma_wait3A_32 = tpu.memref_slice %arg7[%add3A, %dma_wait3A, %dma_wait3A_31] : memref<32x49x128xi32, #tpu.memory_space<hbm>> -> memref<1x49x128xi32, #tpu.memory_space<hbm>>
      %dma_wait3A_33 = tpu.memref_squeeze %dma_wait3A_32 : memref<1x49x128xi32, #tpu.memory_space<hbm>> -> memref<49x128xi32, #tpu.memory_space<hbm>>
      %dma_wait3A_34 = arith.constant 0 : i32
      %dma_wait3A_35 = arith.constant 0 : i32
      %dma_wait3A_36 = tpu.memref_slice %arg7[%add3A, %dma_wait3A_34, %dma_wait3A_35] : memref<32x49x128xi32, #tpu.memory_space<hbm>> -> memref<1x49x128xi32, #tpu.memory_space<hbm>>
      %dma_wait3A_37 = tpu.memref_squeeze %dma_wait3A_36 : memref<1x49x128xi32, #tpu.memory_space<hbm>> -> memref<49x128xi32, #tpu.memory_space<hbm>>
      tpu.wait_dma2 semaphore(%run_scoped3A : memref<!tpu.dma_semaphore, #tpu.memory_space<semaphore_mem>>) src(%dma_wait3A_37 : memref<49x128xi32, #tpu.memory_space<hbm>>) dst(%arg16 : memref<49x128xi32, #tpu.memory_space<vmem>>)
      tpu.yield
    }) : () -> ()
    %mul3A_13 = arith.constant 6272 : i32
    %mul3A_14 = arith.muli %add3A, %mul3A_13 : i32
    "tpu.region"() ({
      %run_scoped3A = tpu.sem_alloc : memref<!tpu.dma_semaphore, #tpu.memory_space<semaphore_mem>>
      %dma_start3A = tpu.memref_slice %arg8[%mul3A_14] : memref<200704xf32, #tpu.memory_space<hbm>> -> memref<6272xf32, #tpu.memory_space<hbm>>
      %dma_start3A_24 = tpu.memref_slice %arg8[%mul3A_14] : memref<200704xf32, #tpu.memory_space<hbm>> -> memref<6272xf32, #tpu.memory_space<hbm>>
      tpu.enqueue_dma source(%dma_start3A_24 : memref<6272xf32, #tpu.memory_space<hbm>>) target(%arg17 : memref<6272xf32, #tpu.memory_space<vmem>>) target_semaphore(%run_scoped3A : memref<!tpu.dma_semaphore, #tpu.memory_space<semaphore_mem>>)
      %dma_wait3A = tpu.memref_slice %arg8[%mul3A_14] : memref<200704xf32, #tpu.memory_space<hbm>> -> memref<6272xf32, #tpu.memory_space<hbm>>
      %dma_wait3A_25 = tpu.memref_slice %arg8[%mul3A_14] : memref<200704xf32, #tpu.memory_space<hbm>> -> memref<6272xf32, #tpu.memory_space<hbm>>
      tpu.wait_dma2 semaphore(%run_scoped3A : memref<!tpu.dma_semaphore, #tpu.memory_space<semaphore_mem>>) src(%dma_wait3A_25 : memref<6272xf32, #tpu.memory_space<hbm>>) dst(%arg17 : memref<6272xf32, #tpu.memory_space<vmem>>)
      tpu.yield
    }) : () -> ()
    %mul3A_15 = arith.constant 6272 : i32
    %mul3A_16 = arith.muli %add3A, %mul3A_15 : i32
    "tpu.region"() ({
      %run_scoped3A = tpu.sem_alloc : memref<!tpu.dma_semaphore, #tpu.memory_space<semaphore_mem>>
      %dma_start3A = tpu.memref_slice %arg9[%mul3A_16] : memref<200704xf32, #tpu.memory_space<hbm>> -> memref<6272xf32, #tpu.memory_space<hbm>>
      %dma_start3A_24 = tpu.memref_slice %arg9[%mul3A_16] : memref<200704xf32, #tpu.memory_space<hbm>> -> memref<6272xf32, #tpu.memory_space<hbm>>
      tpu.enqueue_dma source(%dma_start3A_24 : memref<6272xf32, #tpu.memory_space<hbm>>) target(%arg18 : memref<6272xf32, #tpu.memory_space<vmem>>) target_semaphore(%run_scoped3A : memref<!tpu.dma_semaphore, #tpu.memory_space<semaphore_mem>>)
      %dma_wait3A = tpu.memref_slice %arg9[%mul3A_16] : memref<200704xf32, #tpu.memory_space<hbm>> -> memref<6272xf32, #tpu.memory_space<hbm>>
      %dma_wait3A_25 = tpu.memref_slice %arg9[%mul3A_16] : memref<200704xf32, #tpu.memory_space<hbm>> -> memref<6272xf32, #tpu.memory_space<hbm>>
      tpu.wait_dma2 semaphore(%run_scoped3A : memref<!tpu.dma_semaphore, #tpu.memory_space<semaphore_mem>>) src(%dma_wait3A_25 : memref<6272xf32, #tpu.memory_space<hbm>>) dst(%arg18 : memref<6272xf32, #tpu.memory_space<vmem>>)
      tpu.yield
    }) : () -> ()
    %barrier3A = arith.constant 0 : index
    tpu.barrier barrier_id(%barrier3A)
    %iota3A = tpu.iota {dimensions = array<i32: 0>} : vector<16xi32>
    %broadcast_in_dim3A = arith.constant 0.000000e+00 : f32
    %broadcast_in_dim3A_17 = vector.broadcast %broadcast_in_dim3A : f32 to vector<16xf32>
    %scan3A = arith.constant 0 : i32
    %scan3A_18 = arith.constant 49 : i32
    %scan3A_19 = arith.addi %scan3A, %scan3A_18 : i32
    %scan3A_20 = arith.constant 1 : i32
    %scan3A_21 = scf.for %scan3A_24 = %scan3A to %scan3A_19 step %scan3A_20 iter_args(%scan3A_25 = %broadcast_in_dim3A_17) -> (vector<16xf32>)  : i32 {
      %get3A = arith.index_cast %scan3A_24 : i32 to index
      %get3A_26 = arith.constant 0 : index
      %get3A_27 = tpu.vector_load %arg14[%get3A, %get3A_26] {strides = array<i32>} : memref<49x128xi32, #tpu.memory_space<vmem>>, vector<16xi32>,
      %swap3A_28 = arith.constant 0 : index
      %swap3A_29 = tpu.vector_load %arg19[%swap3A_28] {strides = array<i32>} : memref<128xi32, #tpu.memory_space<vmem>>, vector<16xi32>,
      tpu.vector_store %arg19[%swap3A_28], %get3A_27 {strides = array<i32>} : memref<128xi32, #tpu.memory_space<vmem>>, vector<16xi32>,
      %get3A_30 = arith.index_cast %scan3A_24 : i32 to index
      %get3A_31 = arith.constant 0 : index
      %get3A_32 = tpu.vector_load %arg15[%get3A_30, %get3A_31] {strides = array<i32>} : memref<49x128xi32, #tpu.memory_space<vmem>>, vector<16xi32>,
      %swap3A_33 = arith.constant 0 : index
      %swap3A_34 = tpu.vector_load %arg20[%swap3A_33] {strides = array<i32>} : memref<128xi32, #tpu.memory_space<vmem>>, vector<16xi32>,
      tpu.vector_store %arg20[%swap3A_33], %get3A_32 {strides = array<i32>} : memref<128xi32, #tpu.memory_space<vmem>>, vector<16xi32>,
      %get3A_35 = arith.index_cast %scan3A_24 : i32 to index
      %get3A_36 = arith.constant 0 : index
      %get3A_37 = tpu.vector_load %arg16[%get3A_35, %get3A_36] {strides = array<i32>} : memref<49x128xi32, #tpu.memory_space<vmem>>, vector<16xi32>,
      %swap3A_38 = arith.constant 0 : index
      %swap3A_39 = tpu.vector_load %arg21[%swap3A_38] {strides = array<i32>} : memref<128xi32, #tpu.memory_space<vmem>>, vector<16xi32>,
      tpu.vector_store %arg21[%swap3A_38], %get3A_37 {strides = array<i32>} : memref<128xi32, #tpu.memory_space<vmem>>, vector<16xi32>,
      %get3A_40 = arith.index_cast %scan3A_24 : i32 to index
      %get3A_41 = arith.constant 16 : index
      %get3A_42 = tpu.vector_load %arg14[%get3A_40, %get3A_41] {strides = array<i32>} : memref<49x128xi32, #tpu.memory_space<vmem>>, vector<16xi32>,
      %swap3A_43 = arith.constant 16 : index
      %swap3A_44 = tpu.vector_load %arg19[%swap3A_43] {strides = array<i32>} : memref<128xi32, #tpu.memory_space<vmem>>, vector<16xi32>,
      tpu.vector_store %arg19[%swap3A_43], %get3A_42 {strides = array<i32>} : memref<128xi32, #tpu.memory_space<vmem>>, vector<16xi32>,
      %get3A_45 = arith.index_cast %scan3A_24 : i32 to index
      %get3A_46 = arith.constant 16 : index
      %get3A_47 = tpu.vector_load %arg15[%get3A_45, %get3A_46] {strides = array<i32>} : memref<49x128xi32, #tpu.memory_space<vmem>>, vector<16xi32>,
      %swap3A_48 = arith.constant 16 : index
      %swap3A_49 = tpu.vector_load %arg20[%swap3A_48] {strides = array<i32>} : memref<128xi32, #tpu.memory_space<vmem>>, vector<16xi32>,
      tpu.vector_store %arg20[%swap3A_48], %get3A_47 {strides = array<i32>} : memref<128xi32, #tpu.memory_space<vmem>>, vector<16xi32>,
      %get3A_50 = arith.index_cast %scan3A_24 : i32 to index
      %get3A_51 = arith.constant 16 : index
      %get3A_52 = tpu.vector_load %arg16[%get3A_50, %get3A_51] {strides = array<i32>} : memref<49x128xi32, #tpu.memory_space<vmem>>, vector<16xi32>,
      %swap3A_53 = arith.constant 16 : index
      %swap3A_54 = tpu.vector_load %arg21[%swap3A_53] {strides = array<i32>} : memref<128xi32, #tpu.memory_space<vmem>>, vector<16xi32>,
      tpu.vector_store %arg21[%swap3A_53], %get3A_52 {strides = array<i32>} : memref<128xi32, #tpu.memory_space<vmem>>, vector<16xi32>,
      %get3A_55 = arith.index_cast %scan3A_24 : i32 to index
      %get3A_56 = arith.constant 32 : index
      %get3A_57 = tpu.vector_load %arg14[%get3A_55, %get3A_56] {strides = array<i32>} : memref<49x128xi32, #tpu.memory_space<vmem>>, vector<16xi32>,
      %swap3A_58 = arith.constant 32 : index
      %swap3A_59 = tpu.vector_load %arg19[%swap3A_58] {strides = array<i32>} : memref<128xi32, #tpu.memory_space<vmem>>, vector<16xi32>,
      tpu.vector_store %arg19[%swap3A_58], %get3A_57 {strides = array<i32>} : memref<128xi32, #tpu.memory_space<vmem>>, vector<16xi32>,
      %get3A_60 = arith.index_cast %scan3A_24 : i32 to index
      %get3A_61 = arith.constant 32 : index
      %get3A_62 = tpu.vector_load %arg15[%get3A_60, %get3A_61] {strides = array<i32>} : memref<49x128xi32, #tpu.memory_space<vmem>>, vector<16xi32>,
      %swap3A_63 = arith.constant 32 : index
      %swap3A_64 = tpu.vector_load %arg20[%swap3A_63] {strides = array<i32>} : memref<128xi32, #tpu.memory_space<vmem>>, vector<16xi32>,
      tpu.vector_store %arg20[%swap3A_63], %get3A_62 {strides = array<i32>} : memref<128xi32, #tpu.memory_space<vmem>>, vector<16xi32>,
      %get3A_65 = arith.index_cast %scan3A_24 : i32 to index
      %get3A_66 = arith.constant 32 : index
      %get3A_67 = tpu.vector_load %arg16[%get3A_65, %get3A_66] {strides = array<i32>} : memref<49x128xi32, #tpu.memory_space<vmem>>, vector<16xi32>,
      %swap3A_68 = arith.constant 32 : index
      %swap3A_69 = tpu.vector_load %arg21[%swap3A_68] {strides = array<i32>} : memref<128xi32, #tpu.memory_space<vmem>>, vector<16xi32>,
      tpu.vector_store %arg21[%swap3A_68], %get3A_67 {strides = array<i32>} : memref<128xi32, #tpu.memory_space<vmem>>, vector<16xi32>,
      %get3A_70 = arith.index_cast %scan3A_24 : i32 to index
      %get3A_71 = arith.constant 48 : index
      %get3A_72 = tpu.vector_load %arg14[%get3A_70, %get3A_71] {strides = array<i32>} : memref<49x128xi32, #tpu.memory_space<vmem>>, vector<16xi32>,
      %swap3A_73 = arith.constant 48 : index
      %swap3A_74 = tpu.vector_load %arg19[%swap3A_73] {strides = array<i32>} : memref<128xi32, #tpu.memory_space<vmem>>, vector<16xi32>,
      tpu.vector_store %arg19[%swap3A_73], %get3A_72 {strides = array<i32>} : memref<128xi32, #tpu.memory_space<vmem>>, vector<16xi32>,
      %get3A_75 = arith.index_cast %scan3A_24 : i32 to index
      %get3A_76 = arith.constant 48 : index
      %get3A_77 = tpu.vector_load %arg15[%get3A_75, %get3A_76] {strides = array<i32>} : memref<49x128xi32, #tpu.memory_space<vmem>>, vector<16xi32>,
      %swap3A_78 = arith.constant 48 : index
      %swap3A_79 = tpu.vector_load %arg20[%swap3A_78] {strides = array<i32>} : memref<128xi32, #tpu.memory_space<vmem>>, vector<16xi32>,
      tpu.vector_store %arg20[%swap3A_78], %get3A_77 {strides = array<i32>} : memref<128xi32, #tpu.memory_space<vmem>>, vector<16xi32>,
      %get3A_80 = arith.index_cast %scan3A_24 : i32 to index
      %get3A_81 = arith.constant 48 : index
      %get3A_82 = tpu.vector_load %arg16[%get3A_80, %get3A_81] {strides = array<i32>} : memref<49x128xi32, #tpu.memory_space<vmem>>, vector<16xi32>,
      %swap3A_83 = arith.constant 48 : index
      %swap3A_84 = tpu.vector_load %arg21[%swap3A_83] {strides = array<i32>} : memref<128xi32, #tpu.memory_space<vmem>>, vector<16xi32>,
      tpu.vector_store %arg21[%swap3A_83], %get3A_82 {strides = array<i32>} : memref<128xi32, #tpu.memory_space<vmem>>, vector<16xi32>,
      %get3A_85 = arith.index_cast %scan3A_24 : i32 to index
      %get3A_86 = arith.constant 64 : index
      %get3A_87 = tpu.vector_load %arg14[%get3A_85, %get3A_86] {strides = array<i32>} : memref<49x128xi32, #tpu.memory_space<vmem>>, vector<16xi32>,
      %swap3A_88 = arith.constant 64 : index
      %swap3A_89 = tpu.vector_load %arg19[%swap3A_88] {strides = array<i32>} : memref<128xi32, #tpu.memory_space<vmem>>, vector<16xi32>,
      tpu.vector_store %arg19[%swap3A_88], %get3A_87 {strides = array<i32>} : memref<128xi32, #tpu.memory_space<vmem>>, vector<16xi32>,
      %get3A_90 = arith.index_cast %scan3A_24 : i32 to index
      %get3A_91 = arith.constant 64 : index
      %get3A_92 = tpu.vector_load %arg15[%get3A_90, %get3A_91] {strides = array<i32>} : memref<49x128xi32, #tpu.memory_space<vmem>>, vector<16xi32>,
      %swap3A_93 = arith.constant 64 : index
      %swap3A_94 = tpu.vector_load %arg20[%swap3A_93] {strides = array<i32>} : memref<128xi32, #tpu.memory_space<vmem>>, vector<16xi32>,
      tpu.vector_store %arg20[%swap3A_93], %get3A_92 {strides = array<i32>} : memref<128xi32, #tpu.memory_space<vmem>>, vector<16xi32>,
      %get3A_95 = arith.index_cast %scan3A_24 : i32 to index
      %get3A_96 = arith.constant 64 : index
      %get3A_97 = tpu.vector_load %arg16[%get3A_95, %get3A_96] {strides = array<i32>} : memref<49x128xi32, #tpu.memory_space<vmem>>, vector<16xi32>,
      %swap3A_98 = arith.constant 64 : index
      %swap3A_99 = tpu.vector_load %arg21[%swap3A_98] {strides = array<i32>} : memref<128xi32, #tpu.memory_space<vmem>>, vector<16xi32>,
      tpu.vector_store %arg21[%swap3A_98], %get3A_97 {strides = array<i32>} : memref<128xi32, #tpu.memory_space<vmem>>, vector<16xi32>,
      %get3A_100 = arith.index_cast %scan3A_24 : i32 to index
      %get3A_101 = arith.constant 80 : index
      %get3A_102 = tpu.vector_load %arg14[%get3A_100, %get3A_101] {strides = array<i32>} : memref<49x128xi32, #tpu.memory_space<vmem>>, vector<16xi32>,
      %swap3A_103 = arith.constant 80 : index
      %swap3A_104 = tpu.vector_load %arg19[%swap3A_103] {strides = array<i32>} : memref<128xi32, #tpu.memory_space<vmem>>, vector<16xi32>,
      tpu.vector_store %arg19[%swap3A_103], %get3A_102 {strides = array<i32>} : memref<128xi32, #tpu.memory_space<vmem>>, vector<16xi32>,
      %get3A_105 = arith.index_cast %scan3A_24 : i32 to index
      %get3A_106 = arith.constant 80 : index
      %get3A_107 = tpu.vector_load %arg15[%get3A_105, %get3A_106] {strides = array<i32>} : memref<49x128xi32, #tpu.memory_space<vmem>>, vector<16xi32>,
      %swap3A_108 = arith.constant 80 : index
      %swap3A_109 = tpu.vector_load %arg20[%swap3A_108] {strides = array<i32>} : memref<128xi32, #tpu.memory_space<vmem>>, vector<16xi32>,
      tpu.vector_store %arg20[%swap3A_108], %get3A_107 {strides = array<i32>} : memref<128xi32, #tpu.memory_space<vmem>>, vector<16xi32>,
      %get3A_110 = arith.index_cast %scan3A_24 : i32 to index
      %get3A_111 = arith.constant 80 : index
      %get3A_112 = tpu.vector_load %arg16[%get3A_110, %get3A_111] {strides = array<i32>} : memref<49x128xi32, #tpu.memory_space<vmem>>, vector<16xi32>,
      %swap3A_113 = arith.constant 80 : index
      %swap3A_114 = tpu.vector_load %arg21[%swap3A_113] {strides = array<i32>} : memref<128xi32, #tpu.memory_space<vmem>>, vector<16xi32>,
      tpu.vector_store %arg21[%swap3A_113], %get3A_112 {strides = array<i32>} : memref<128xi32, #tpu.memory_space<vmem>>, vector<16xi32>,
      %get3A_115 = arith.index_cast %scan3A_24 : i32 to index
      %get3A_116 = arith.constant 96 : index
      %get3A_117 = tpu.vector_load %arg14[%get3A_115, %get3A_116] {strides = array<i32>} : memref<49x128xi32, #tpu.memory_space<vmem>>, vector<16xi32>,
      %swap3A_118 = arith.constant 96 : index
      %swap3A_119 = tpu.vector_load %arg19[%swap3A_118] {strides = array<i32>} : memref<128xi32, #tpu.memory_space<vmem>>, vector<16xi32>,
      tpu.vector_store %arg19[%swap3A_118], %get3A_117 {strides = array<i32>} : memref<128xi32, #tpu.memory_space<vmem>>, vector<16xi32>,
      %get3A_120 = arith.index_cast %scan3A_24 : i32 to index
      %get3A_121 = arith.constant 96 : index
      %get3A_122 = tpu.vector_load %arg15[%get3A_120, %get3A_121] {strides = array<i32>} : memref<49x128xi32, #tpu.memory_space<vmem>>, vector<16xi32>,
      %swap3A_123 = arith.constant 96 : index
      %swap3A_124 = tpu.vector_load %arg20[%swap3A_123] {strides = array<i32>} : memref<128xi32, #tpu.memory_space<vmem>>, vector<16xi32>,
      tpu.vector_store %arg20[%swap3A_123], %get3A_122 {strides = array<i32>} : memref<128xi32, #tpu.memory_space<vmem>>, vector<16xi32>,
      %get3A_125 = arith.index_cast %scan3A_24 : i32 to index
      %get3A_126 = arith.constant 96 : index
      %get3A_127 = tpu.vector_load %arg16[%get3A_125, %get3A_126] {strides = array<i32>} : memref<49x128xi32, #tpu.memory_space<vmem>>, vector<16xi32>,
      %swap3A_128 = arith.constant 96 : index
      %swap3A_129 = tpu.vector_load %arg21[%swap3A_128] {strides = array<i32>} : memref<128xi32, #tpu.memory_space<vmem>>, vector<16xi32>,
      tpu.vector_store %arg21[%swap3A_128], %get3A_127 {strides = array<i32>} : memref<128xi32, #tpu.memory_space<vmem>>, vector<16xi32>,
      %get3A_130 = arith.index_cast %scan3A_24 : i32 to index
      %get3A_131 = arith.constant 112 : index
      %get3A_132 = tpu.vector_load %arg14[%get3A_130, %get3A_131] {strides = array<i32>} : memref<49x128xi32, #tpu.memory_space<vmem>>, vector<16xi32>,
      %swap3A_133 = arith.constant 112 : index
      %swap3A_134 = tpu.vector_load %arg19[%swap3A_133] {strides = array<i32>} : memref<128xi32, #tpu.memory_space<vmem>>, vector<16xi32>,
      tpu.vector_store %arg19[%swap3A_133], %get3A_132 {strides = array<i32>} : memref<128xi32, #tpu.memory_space<vmem>>, vector<16xi32>,
      %get3A_135 = arith.index_cast %scan3A_24 : i32 to index
      %get3A_136 = arith.constant 112 : index
      %get3A_137 = tpu.vector_load %arg15[%get3A_135, %get3A_136] {strides = array<i32>} : memref<49x128xi32, #tpu.memory_space<vmem>>, vector<16xi32>,
      %swap3A_138 = arith.constant 112 : index
      %swap3A_139 = tpu.vector_load %arg20[%swap3A_138] {strides = array<i32>} : memref<128xi32, #tpu.memory_space<vmem>>, vector<16xi32>,
      tpu.vector_store %arg20[%swap3A_138], %get3A_137 {strides = array<i32>} : memref<128xi32, #tpu.memory_space<vmem>>, vector<16xi32>,
      %get3A_140 = arith.index_cast %scan3A_24 : i32 to index
      %get3A_141 = arith.constant 112 : index
      %get3A_142 = tpu.vector_load %arg16[%get3A_140, %get3A_141] {strides = array<i32>} : memref<49x128xi32, #tpu.memory_space<vmem>>, vector<16xi32>,
      %swap3A_143 = arith.constant 112 : index
      %swap3A_144 = tpu.vector_load %arg21[%swap3A_143] {strides = array<i32>} : memref<128xi32, #tpu.memory_space<vmem>>, vector<16xi32>,
      tpu.vector_store %arg21[%swap3A_143], %get3A_142 {strides = array<i32>} : memref<128xi32, #tpu.memory_space<vmem>>, vector<16xi32>,
      %dma_start3A = arith.constant 0 : i32
      %dma_start3A_145 = tpu.memref_slice %arg11[%dma_start3A] : memref<100000xf32, #tpu.memory_space<vmem_shared>> -> memref<100000xf32, #tpu.memory_space<vmem_shared>>
      tpu.enqueue_indirect_dma source(%dma_start3A_145 : memref<100000xf32, #tpu.memory_space<vmem_shared>>) target(%arg22 : memref<128xf32, #tpu.memory_space<vmem>>) offsets(%arg19 : memref<128xi32, #tpu.memory_space<vmem>>) semaphore(%arg32 : memref<!tpu.dma_semaphore, #tpu.memory_space<semaphore_mem>>)
      %dma_start3A_146 = arith.constant 0 : i32
      %dma_start3A_147 = tpu.memref_slice %arg12[%dma_start3A_146] : memref<100000xf32, #tpu.memory_space<vmem_shared>> -> memref<100000xf32, #tpu.memory_space<vmem_shared>>
      tpu.enqueue_indirect_dma source(%dma_start3A_147 : memref<100000xf32, #tpu.memory_space<vmem_shared>>) target(%arg23 : memref<128xf32, #tpu.memory_space<vmem>>) offsets(%arg19 : memref<128xi32, #tpu.memory_space<vmem>>) semaphore(%arg32 : memref<!tpu.dma_semaphore, #tpu.memory_space<semaphore_mem>>)
      %dma_start3A_148 = arith.constant 0 : i32
      %dma_start3A_149 = tpu.memref_slice %arg13[%dma_start3A_148] : memref<100000xf32, #tpu.memory_space<vmem_shared>> -> memref<100000xf32, #tpu.memory_space<vmem_shared>>
      tpu.enqueue_indirect_dma source(%dma_start3A_149 : memref<100000xf32, #tpu.memory_space<vmem_shared>>) target(%arg24 : memref<128xf32, #tpu.memory_space<vmem>>) offsets(%arg19 : memref<128xi32, #tpu.memory_space<vmem>>) semaphore(%arg32 : memref<!tpu.dma_semaphore, #tpu.memory_space<semaphore_mem>>)
      %dma_start3A_150 = arith.constant 0 : i32
      %dma_start3A_151 = tpu.memref_slice %arg11[%dma_start3A_150] : memref<100000xf32, #tpu.memory_space<vmem_shared>> -> memref<100000xf32, #tpu.memory_space<vmem_shared>>
      tpu.enqueue_indirect_dma source(%dma_start3A_151 : memref<100000xf32, #tpu.memory_space<vmem_shared>>) target(%arg25 : memref<128xf32, #tpu.memory_space<vmem>>) offsets(%arg20 : memref<128xi32, #tpu.memory_space<vmem>>) semaphore(%arg32 : memref<!tpu.dma_semaphore, #tpu.memory_space<semaphore_mem>>)
      %dma_start3A_152 = arith.constant 0 : i32
      %dma_start3A_153 = tpu.memref_slice %arg12[%dma_start3A_152] : memref<100000xf32, #tpu.memory_space<vmem_shared>> -> memref<100000xf32, #tpu.memory_space<vmem_shared>>
      tpu.enqueue_indirect_dma source(%dma_start3A_153 : memref<100000xf32, #tpu.memory_space<vmem_shared>>) target(%arg26 : memref<128xf32, #tpu.memory_space<vmem>>) offsets(%arg20 : memref<128xi32, #tpu.memory_space<vmem>>) semaphore(%arg32 : memref<!tpu.dma_semaphore, #tpu.memory_space<semaphore_mem>>)
      %dma_start3A_154 = arith.constant 0 : i32
      %dma_start3A_155 = tpu.memref_slice %arg13[%dma_start3A_154] : memref<100000xf32, #tpu.memory_space<vmem_shared>> -> memref<100000xf32, #tpu.memory_space<vmem_shared>>
      tpu.enqueue_indirect_dma source(%dma_start3A_155 : memref<100000xf32, #tpu.memory_space<vmem_shared>>) target(%arg27 : memref<128xf32, #tpu.memory_space<vmem>>) offsets(%arg20 : memref<128xi32, #tpu.memory_space<vmem>>) semaphore(%arg32 : memref<!tpu.dma_semaphore, #tpu.memory_space<semaphore_mem>>)
      %dma_start3A_156 = arith.constant 0 : i32
      %dma_start3A_157 = tpu.memref_slice %arg11[%dma_start3A_156] : memref<100000xf32, #tpu.memory_space<vmem_shared>> -> memref<100000xf32, #tpu.memory_space<vmem_shared>>
      tpu.enqueue_indirect_dma source(%dma_start3A_157 : memref<100000xf32, #tpu.memory_space<vmem_shared>>) target(%arg28 : memref<128xf32, #tpu.memory_space<vmem>>) offsets(%arg21 : memref<128xi32, #tpu.memory_space<vmem>>) semaphore(%arg32 : memref<!tpu.dma_semaphore, #tpu.memory_space<semaphore_mem>>)
      %dma_start3A_158 = arith.constant 0 : i32
      %dma_start3A_159 = tpu.memref_slice %arg12[%dma_start3A_158] : memref<100000xf32, #tpu.memory_space<vmem_shared>> -> memref<100000xf32, #tpu.memory_space<vmem_shared>>
      tpu.enqueue_indirect_dma source(%dma_start3A_159 : memref<100000xf32, #tpu.memory_space<vmem_shared>>) target(%arg29 : memref<128xf32, #tpu.memory_space<vmem>>) offsets(%arg21 : memref<128xi32, #tpu.memory_space<vmem>>) semaphore(%arg32 : memref<!tpu.dma_semaphore, #tpu.memory_space<semaphore_mem>>)
      %dma_start3A_160 = arith.constant 0 : i32
      %dma_start3A_161 = tpu.memref_slice %arg13[%dma_start3A_160] : memref<100000xf32, #tpu.memory_space<vmem_shared>> -> memref<100000xf32, #tpu.memory_space<vmem_shared>>
      tpu.enqueue_indirect_dma source(%dma_start3A_161 : memref<100000xf32, #tpu.memory_space<vmem_shared>>) target(%arg30 : memref<128xf32, #tpu.memory_space<vmem>>) offsets(%arg21 : memref<128xi32, #tpu.memory_space<vmem>>) semaphore(%arg32 : memref<!tpu.dma_semaphore, #tpu.memory_space<semaphore_mem>>)
      %dma_wait3A = arith.constant 0 : i32
      %dma_wait3A_162 = tpu.memref_slice %arg11[%dma_wait3A] : memref<100000xf32, #tpu.memory_space<vmem_shared>> -> memref<100000xf32, #tpu.memory_space<vmem_shared>>
      tpu.wait_indirect_dma semaphore(%arg32 : memref<!tpu.dma_semaphore, #tpu.memory_space<semaphore_mem>>) src(%dma_wait3A_162 : memref<100000xf32, #tpu.memory_space<vmem_shared>>) dst(%arg22 : memref<128xf32, #tpu.memory_space<vmem>>)
      %dma_wait3A_163 = arith.constant 0 : i32
      %dma_wait3A_164 = tpu.memref_slice %arg12[%dma_wait3A_163] : memref<100000xf32, #tpu.memory_space<vmem_shared>> -> memref<100000xf32, #tpu.memory_space<vmem_shared>>
      tpu.wait_indirect_dma semaphore(%arg32 : memref<!tpu.dma_semaphore, #tpu.memory_space<semaphore_mem>>) src(%dma_wait3A_164 : memref<100000xf32, #tpu.memory_space<vmem_shared>>) dst(%arg23 : memref<128xf32, #tpu.memory_space<vmem>>)
      %dma_wait3A_165 = arith.constant 0 : i32
      %dma_wait3A_166 = tpu.memref_slice %arg13[%dma_wait3A_165] : memref<100000xf32, #tpu.memory_space<vmem_shared>> -> memref<100000xf32, #tpu.memory_space<vmem_shared>>
      tpu.wait_indirect_dma semaphore(%arg32 : memref<!tpu.dma_semaphore, #tpu.memory_space<semaphore_mem>>) src(%dma_wait3A_166 : memref<100000xf32, #tpu.memory_space<vmem_shared>>) dst(%arg24 : memref<128xf32, #tpu.memory_space<vmem>>)
      %dma_wait3A_167 = arith.constant 0 : i32
      %dma_wait3A_168 = tpu.memref_slice %arg11[%dma_wait3A_167] : memref<100000xf32, #tpu.memory_space<vmem_shared>> -> memref<100000xf32, #tpu.memory_space<vmem_shared>>
      tpu.wait_indirect_dma semaphore(%arg32 : memref<!tpu.dma_semaphore, #tpu.memory_space<semaphore_mem>>) src(%dma_wait3A_168 : memref<100000xf32, #tpu.memory_space<vmem_shared>>) dst(%arg25 : memref<128xf32, #tpu.memory_space<vmem>>)
      %dma_wait3A_169 = arith.constant 0 : i32
      %dma_wait3A_170 = tpu.memref_slice %arg12[%dma_wait3A_169] : memref<100000xf32, #tpu.memory_space<vmem_shared>> -> memref<100000xf32, #tpu.memory_space<vmem_shared>>
      tpu.wait_indirect_dma semaphore(%arg32 : memref<!tpu.dma_semaphore, #tpu.memory_space<semaphore_mem>>) src(%dma_wait3A_170 : memref<100000xf32, #tpu.memory_space<vmem_shared>>) dst(%arg26 : memref<128xf32, #tpu.memory_space<vmem>>)
      %dma_wait3A_171 = arith.constant 0 : i32
      %dma_wait3A_172 = tpu.memref_slice %arg13[%dma_wait3A_171] : memref<100000xf32, #tpu.memory_space<vmem_shared>> -> memref<100000xf32, #tpu.memory_space<vmem_shared>>
      tpu.wait_indirect_dma semaphore(%arg32 : memref<!tpu.dma_semaphore, #tpu.memory_space<semaphore_mem>>) src(%dma_wait3A_172 : memref<100000xf32, #tpu.memory_space<vmem_shared>>) dst(%arg27 : memref<128xf32, #tpu.memory_space<vmem>>)
      %dma_wait3A_173 = arith.constant 0 : i32
      %dma_wait3A_174 = tpu.memref_slice %arg11[%dma_wait3A_173] : memref<100000xf32, #tpu.memory_space<vmem_shared>> -> memref<100000xf32, #tpu.memory_space<vmem_shared>>
      tpu.wait_indirect_dma semaphore(%arg32 : memref<!tpu.dma_semaphore, #tpu.memory_space<semaphore_mem>>) src(%dma_wait3A_174 : memref<100000xf32, #tpu.memory_space<vmem_shared>>) dst(%arg28 : memref<128xf32, #tpu.memory_space<vmem>>)
      %dma_wait3A_175 = arith.constant 0 : i32
      %dma_wait3A_176 = tpu.memref_slice %arg12[%dma_wait3A_175] : memref<100000xf32, #tpu.memory_space<vmem_shared>> -> memref<100000xf32, #tpu.memory_space<vmem_shared>>
      tpu.wait_indirect_dma semaphore(%arg32 : memref<!tpu.dma_semaphore, #tpu.memory_space<semaphore_mem>>) src(%dma_wait3A_176 : memref<100000xf32, #tpu.memory_space<vmem_shared>>) dst(%arg29 : memref<128xf32, #tpu.memory_space<vmem>>)
      %dma_wait3A_177 = arith.constant 0 : i32
      %dma_wait3A_178 = tpu.memref_slice %arg13[%dma_wait3A_177] : memref<100000xf32, #tpu.memory_space<vmem_shared>> -> memref<100000xf32, #tpu.memory_space<vmem_shared>>
      tpu.wait_indirect_dma semaphore(%arg32 : memref<!tpu.dma_semaphore, #tpu.memory_space<semaphore_mem>>) src(%dma_wait3A_178 : memref<100000xf32, #tpu.memory_space<vmem_shared>>) dst(%arg30 : memref<128xf32, #tpu.memory_space<vmem>>)
      %get3A_179 = arith.constant 0 : index
      %get3A_180 = tpu.vector_load %arg22[%get3A_179] {strides = array<i32>} : memref<128xf32, #tpu.memory_space<vmem>>, vector<16xf32>,
      %get3A_181 = arith.constant 0 : index
      %get3A_182 = tpu.vector_load %arg23[%get3A_181] {strides = array<i32>} : memref<128xf32, #tpu.memory_space<vmem>>, vector<16xf32>,
      %get3A_183 = arith.constant 0 : index
      %get3A_184 = tpu.vector_load %arg24[%get3A_183] {strides = array<i32>} : memref<128xf32, #tpu.memory_space<vmem>>, vector<16xf32>,
      %get3A_185 = arith.constant 0 : index
      %get3A_186 = tpu.vector_load %arg25[%get3A_185] {strides = array<i32>} : memref<128xf32, #tpu.memory_space<vmem>>, vector<16xf32>,
      %get3A_187 = arith.constant 0 : index
      %get3A_188 = tpu.vector_load %arg26[%get3A_187] {strides = array<i32>} : memref<128xf32, #tpu.memory_space<vmem>>, vector<16xf32>,
      %get3A_189 = arith.constant 0 : index
      %get3A_190 = tpu.vector_load %arg27[%get3A_189] {strides = array<i32>} : memref<128xf32, #tpu.memory_space<vmem>>, vector<16xf32>,
      %get3A_191 = arith.constant 0 : index
      %get3A_192 = tpu.vector_load %arg28[%get3A_191] {strides = array<i32>} : memref<128xf32, #tpu.memory_space<vmem>>, vector<16xf32>,
      %get3A_193 = arith.constant 0 : index
      %get3A_194 = tpu.vector_load %arg29[%get3A_193] {strides = array<i32>} : memref<128xf32, #tpu.memory_space<vmem>>, vector<16xf32>,
      %get3A_195 = arith.constant 0 : index
      %get3A_196 = tpu.vector_load %arg30[%get3A_195] {strides = array<i32>} : memref<128xf32, #tpu.memory_space<vmem>>, vector<16xf32>,
      %sub3A = arith.subf %get3A_180, %get3A_186 : vector<16xf32>
      %sub3A_197 = arith.subf %get3A_182, %get3A_188 : vector<16xf32>
      %sub3A_198 = arith.subf %get3A_184, %get3A_190 : vector<16xf32>
      %sub3A_199 = arith.subf %get3A_192, %get3A_186 : vector<16xf32>
      %sub3A_200 = arith.subf %get3A_194, %get3A_188 : vector<16xf32>
      %sub3A_201 = arith.subf %get3A_196, %get3A_190 : vector<16xf32>
      %mul3A_202 = arith.mulf %sub3A, %sub3A_199 : vector<16xf32>
      %mul3A_203 = arith.mulf %sub3A_197, %sub3A_200 : vector<16xf32>
      %add3A_204 = arith.addf %mul3A_202, %mul3A_203 : vector<16xf32>
      %mul3A_205 = arith.mulf %sub3A_198, %sub3A_201 : vector<16xf32>
      %add3A_206 = arith.addf %add3A_204, %mul3A_205 : vector<16xf32>
      %mul3A_207 = arith.mulf %sub3A, %sub3A : vector<16xf32>
      %mul3A_208 = arith.mulf %sub3A_197, %sub3A_197 : vector<16xf32>
      %add3A_209 = arith.addf %mul3A_207, %mul3A_208 : vector<16xf32>
      %mul3A_210 = arith.mulf %sub3A_198, %sub3A_198 : vector<16xf32>
      %add3A_211 = arith.addf %add3A_209, %mul3A_210 : vector<16xf32>
      %mul3A_212 = arith.mulf %sub3A_199, %sub3A_199 : vector<16xf32>
      %mul3A_213 = arith.mulf %sub3A_200, %sub3A_200 : vector<16xf32>
      %add3A_214 = arith.addf %mul3A_212, %mul3A_213 : vector<16xf32>
      %mul3A_215 = arith.mulf %sub3A_201, %sub3A_201 : vector<16xf32>
      %add3A_216 = arith.addf %add3A_214, %mul3A_215 : vector<16xf32>
      %mul3A_217 = arith.mulf %add3A_211, %add3A_216 : vector<16xf32>
      %max3A = arith.constant 1.000000e-30 : f32
      %max3A_218 = vector.broadcast %max3A : f32 to vector<16xf32>
      %max3A_219 = arith.maximumf %mul3A_217, %max3A_218 : vector<16xf32>
      %bitcast3A = vector.bitcast %max3A_219 : vector<16xf32> to vector<16xi32>
      %shift_right_logical3A = arith.constant 1 : i32
      %shift_right_logical3A_220 = vector.broadcast %shift_right_logical3A : i32 to vector<16xi32>
      %shift_right_logical3A_221 = arith.shrui %bitcast3A, %shift_right_logical3A_220 : vector<16xi32>
      %sub3A_222 = arith.constant 1597463007 : i32
      %sub3A_223 = vector.broadcast %sub3A_222 : i32 to vector<16xi32>
      %sub3A_224 = arith.subi %sub3A_223, %shift_right_logical3A_221 : vector<16xi32>
      %bitcast3A_225 = vector.bitcast %sub3A_224 : vector<16xi32> to vector<16xf32>
      %mul3A_226 = arith.constant 5.000000e-01 : f32
      %mul3A_227 = vector.broadcast %mul3A_226 : f32 to vector<16xf32>
      %mul3A_228 = arith.mulf %mul3A_227, %max3A_219 : vector<16xf32>
      %mul3A_229 = arith.mulf %mul3A_228, %bitcast3A_225 : vector<16xf32>
      %mul3A_230 = arith.mulf %mul3A_229, %bitcast3A_225 : vector<16xf32>
      %sub3A_231 = arith.constant 1.500000e+00 : f32
      %sub3A_232 = vector.broadcast %sub3A_231 : f32 to vector<16xf32>
      %sub3A_233 = arith.subf %sub3A_232, %mul3A_230 : vector<16xf32>
      %mul3A_234 = arith.mulf %bitcast3A_225, %sub3A_233 : vector<16xf32>
      %mul3A_235 = arith.constant 5.000000e-01 : f32
      %mul3A_236 = vector.broadcast %mul3A_235 : f32 to vector<16xf32>
      %mul3A_237 = arith.mulf %mul3A_236, %max3A_219 : vector<16xf32>
      %mul3A_238 = arith.mulf %mul3A_237, %mul3A_234 : vector<16xf32>
      %mul3A_239 = arith.mulf %mul3A_238, %mul3A_234 : vector<16xf32>
      %sub3A_240 = arith.constant 1.500000e+00 : f32
      %sub3A_241 = vector.broadcast %sub3A_240 : f32 to vector<16xf32>
      %sub3A_242 = arith.subf %sub3A_241, %mul3A_239 : vector<16xf32>
      %mul3A_243 = arith.mulf %mul3A_234, %sub3A_242 : vector<16xf32>
      %mul3A_244 = arith.constant 5.000000e-01 : f32
      %mul3A_245 = vector.broadcast %mul3A_244 : f32 to vector<16xf32>
      %mul3A_246 = arith.mulf %mul3A_245, %max3A_219 : vector<16xf32>
      %mul3A_247 = arith.mulf %mul3A_246, %mul3A_243 : vector<16xf32>
      %mul3A_248 = arith.mulf %mul3A_247, %mul3A_243 : vector<16xf32>
      %sub3A_249 = arith.constant 1.500000e+00 : f32
      %sub3A_250 = vector.broadcast %sub3A_249 : f32 to vector<16xf32>
      %sub3A_251 = arith.subf %sub3A_250, %mul3A_248 : vector<16xf32>
      %mul3A_252 = arith.mulf %mul3A_243, %sub3A_251 : vector<16xf32>
      %mul3A_253 = arith.mulf %add3A_206, %mul3A_252 : vector<16xf32>
      %max3A_254 = arith.constant -1.000000e+00 : f32
      %max3A_255 = vector.broadcast %max3A_254 : f32 to vector<16xf32>
      %max3A_256 = arith.maximumf %mul3A_253, %max3A_255 : vector<16xf32>
      %min3A = arith.constant 1.000000e+00 : f32
      %min3A_257 = vector.broadcast %min3A : f32 to vector<16xf32>
      %min3A_258 = arith.minimumf %max3A_256, %min3A_257 : vector<16xf32>
      %abs3A = math.absf %min3A_258 : vector<16xf32>
      %mul3A_259 = arith.constant -1.872930e-02 : f32
      %mul3A_260 = vector.broadcast %mul3A_259 : f32 to vector<16xf32>
      %mul3A_261 = arith.mulf %mul3A_260, %abs3A : vector<16xf32>
      %add3A_262 = arith.constant 7.426100e-02 : f32
      %add3A_263 = vector.broadcast %add3A_262 : f32 to vector<16xf32>
      %add3A_264 = arith.addf %mul3A_261, %add3A_263 : vector<16xf32>
      %mul3A_265 = arith.mulf %add3A_264, %abs3A : vector<16xf32>
      %add3A_266 = arith.constant -0.212114394 : f32
      %add3A_267 = vector.broadcast %add3A_266 : f32 to vector<16xf32>
      %add3A_268 = arith.addf %mul3A_265, %add3A_267 : vector<16xf32>
      %mul3A_269 = arith.mulf %add3A_268, %abs3A : vector<16xf32>
      %add3A_270 = arith.constant 1.57072878 : f32
      %add3A_271 = vector.broadcast %add3A_270 : f32 to vector<16xf32>
      %add3A_272 = arith.addf %mul3A_269, %add3A_271 : vector<16xf32>
      %sub3A_273 = arith.constant 1.000000e+00 : f32
      %sub3A_274 = vector.broadcast %sub3A_273 : f32 to vector<16xf32>
      %sub3A_275 = arith.subf %sub3A_274, %abs3A : vector<16xf32>
      %max3A_276 = arith.constant 1.000000e-30 : f32
      %max3A_277 = vector.broadcast %max3A_276 : f32 to vector<16xf32>
      %max3A_278 = arith.maximumf %sub3A_275, %max3A_277 : vector<16xf32>
      %bitcast3A_279 = vector.bitcast %max3A_278 : vector<16xf32> to vector<16xi32>
      %shift_right_logical3A_280 = arith.constant 1 : i32
      %shift_right_logical3A_281 = vector.broadcast %shift_right_logical3A_280 : i32 to vector<16xi32>
      %shift_right_logical3A_282 = arith.shrui %bitcast3A_279, %shift_right_logical3A_281 : vector<16xi32>
      %sub3A_283 = arith.constant 1597463007 : i32
      %sub3A_284 = vector.broadcast %sub3A_283 : i32 to vector<16xi32>
      %sub3A_285 = arith.subi %sub3A_284, %shift_right_logical3A_282 : vector<16xi32>
      %bitcast3A_286 = vector.bitcast %sub3A_285 : vector<16xi32> to vector<16xf32>
      %mul3A_287 = arith.constant 5.000000e-01 : f32
      %mul3A_288 = vector.broadcast %mul3A_287 : f32 to vector<16xf32>
      %mul3A_289 = arith.mulf %mul3A_288, %max3A_278 : vector<16xf32>
      %mul3A_290 = arith.mulf %mul3A_289, %bitcast3A_286 : vector<16xf32>
      %mul3A_291 = arith.mulf %mul3A_290, %bitcast3A_286 : vector<16xf32>
      %sub3A_292 = arith.constant 1.500000e+00 : f32
      %sub3A_293 = vector.broadcast %sub3A_292 : f32 to vector<16xf32>
      %sub3A_294 = arith.subf %sub3A_293, %mul3A_291 : vector<16xf32>
      %mul3A_295 = arith.mulf %bitcast3A_286, %sub3A_294 : vector<16xf32>
      %mul3A_296 = arith.constant 5.000000e-01 : f32
      %mul3A_297 = vector.broadcast %mul3A_296 : f32 to vector<16xf32>
      %mul3A_298 = arith.mulf %mul3A_297, %max3A_278 : vector<16xf32>
      %mul3A_299 = arith.mulf %mul3A_298, %mul3A_295 : vector<16xf32>
      %mul3A_300 = arith.mulf %mul3A_299, %mul3A_295 : vector<16xf32>
      %sub3A_301 = arith.constant 1.500000e+00 : f32
      %sub3A_302 = vector.broadcast %sub3A_301 : f32 to vector<16xf32>
      %sub3A_303 = arith.subf %sub3A_302, %mul3A_300 : vector<16xf32>
      %mul3A_304 = arith.mulf %mul3A_295, %sub3A_303 : vector<16xf32>
      %mul3A_305 = arith.constant 5.000000e-01 : f32
      %mul3A_306 = vector.broadcast %mul3A_305 : f32 to vector<16xf32>
      %mul3A_307 = arith.mulf %mul3A_306, %max3A_278 : vector<16xf32>
      %mul3A_308 = arith.mulf %mul3A_307, %mul3A_304 : vector<16xf32>
      %mul3A_309 = arith.mulf %mul3A_308, %mul3A_304 : vector<16xf32>
      %sub3A_310 = arith.constant 1.500000e+00 : f32
      %sub3A_311 = vector.broadcast %sub3A_310 : f32 to vector<16xf32>
      %sub3A_312 = arith.subf %sub3A_311, %mul3A_309 : vector<16xf32>
      %mul3A_313 = arith.mulf %mul3A_304, %sub3A_312 : vector<16xf32>
      %mul3A_314 = arith.mulf %sub3A_275, %mul3A_313 : vector<16xf32>
      %mul3A_315 = arith.mulf %mul3A_314, %add3A_272 : vector<16xf32>
      %ge3A = arith.constant 0.000000e+00 : f32
      %ge3A_316 = vector.broadcast %ge3A : f32 to vector<16xf32>
      %ge3A_317 = arith.cmpf oge, %min3A_258, %ge3A_316 : vector<16xf32>
      %sub3A_318 = arith.constant 3.14159274 : f32
      %sub3A_319 = vector.broadcast %sub3A_318 : f32 to vector<16xf32>
      %sub3A_320 = arith.subf %sub3A_319, %mul3A_315 : vector<16xf32>
      %select_n3A = arith.select %ge3A_317, %mul3A_315, %sub3A_320 : vector<16xi1>, vector<16xf32>
      %mul3A_321 = arith.constant 128 : i32
      %mul3A_322 = arith.muli %scan3A_24, %mul3A_321 : i32
      %add3A_323 = arith.constant 0 : i32
      %add3A_324 = arith.addi %mul3A_322, %add3A_323 : i32
      %get3A_325 = arith.index_cast %add3A_324 : i32 to index
      %get3A_326 = tpu.vector_load %arg17[%get3A_325] {strides = array<i32>} : memref<6272xf32, #tpu.memory_space<vmem>>, vector<16xf32>,
      %get3A_327 = arith.index_cast %add3A_324 : i32 to index
      %get3A_328 = tpu.vector_load %arg18[%get3A_327] {strides = array<i32>} : memref<6272xf32, #tpu.memory_space<vmem>>, vector<16xf32>,
      %sub3A_329 = arith.subf %select_n3A, %get3A_326 : vector<16xf32>
      %mul3A_330 = arith.constant 2.200000e-08 : f32
      %mul3A_331 = vector.broadcast %mul3A_330 : f32 to vector<16xf32>
      %mul3A_332 = arith.mulf %sub3A_329, %mul3A_331 : vector<16xf32>
      %add3A_333 = arith.constant -6.99999987E-7 : f32
      %add3A_334 = vector.broadcast %add3A_333 : f32 to vector<16xf32>
      %add3A_335 = arith.addf %add3A_334, %mul3A_332 : vector<16xf32>
      %mul3A_336 = arith.mulf %sub3A_329, %add3A_335 : vector<16xf32>
      %add3A_337 = arith.constant 5.600000e-05 : f32
      %add3A_338 = vector.broadcast %add3A_337 : f32 to vector<16xf32>
      %add3A_339 = arith.addf %add3A_338, %mul3A_336 : vector<16xf32>
      %mul3A_340 = arith.mulf %sub3A_329, %add3A_339 : vector<16xf32>
      %add3A_341 = arith.constant -1.400000e-02 : f32
      %add3A_342 = vector.broadcast %add3A_341 : f32 to vector<16xf32>
      %add3A_343 = arith.addf %add3A_342, %mul3A_340 : vector<16xf32>
      %mul3A_344 = arith.mulf %sub3A_329, %add3A_343 : vector<16xf32>
      %add3A_345 = arith.constant 1.000000e+00 : f32
      %add3A_346 = vector.broadcast %add3A_345 : f32 to vector<16xf32>
      %add3A_347 = arith.addf %add3A_346, %mul3A_344 : vector<16xf32>
      %mul3A_348 = arith.mulf %sub3A_329, %sub3A_329 : vector<16xf32>
      %mul3A_349 = arith.mulf %get3A_328, %mul3A_348 : vector<16xf32>
      %mul3A_350 = arith.mulf %mul3A_349, %add3A_347 : vector<16xf32>
      %add3A_351 = arith.addf %scan3A_25, %mul3A_350 : vector<16xf32>
      %get3A_352 = arith.constant 16 : index
      %get3A_353 = tpu.vector_load %arg22[%get3A_352] {strides = array<i32>} : memref<128xf32, #tpu.memory_space<vmem>>, vector<16xf32>,
      %get3A_354 = arith.constant 16 : index
      %get3A_355 = tpu.vector_load %arg23[%get3A_354] {strides = array<i32>} : memref<128xf32, #tpu.memory_space<vmem>>, vector<16xf32>,
      %get3A_356 = arith.constant 16 : index
      %get3A_357 = tpu.vector_load %arg24[%get3A_356] {strides = array<i32>} : memref<128xf32, #tpu.memory_space<vmem>>, vector<16xf32>,
      %get3A_358 = arith.constant 16 : index
      %get3A_359 = tpu.vector_load %arg25[%get3A_358] {strides = array<i32>} : memref<128xf32, #tpu.memory_space<vmem>>, vector<16xf32>,
      %get3A_360 = arith.constant 16 : index
      %get3A_361 = tpu.vector_load %arg26[%get3A_360] {strides = array<i32>} : memref<128xf32, #tpu.memory_space<vmem>>, vector<16xf32>,
      %get3A_362 = arith.constant 16 : index
      %get3A_363 = tpu.vector_load %arg27[%get3A_362] {strides = array<i32>} : memref<128xf32, #tpu.memory_space<vmem>>, vector<16xf32>,
      %get3A_364 = arith.constant 16 : index
      %get3A_365 = tpu.vector_load %arg28[%get3A_364] {strides = array<i32>} : memref<128xf32, #tpu.memory_space<vmem>>, vector<16xf32>,
      %get3A_366 = arith.constant 16 : index
      %get3A_367 = tpu.vector_load %arg29[%get3A_366] {strides = array<i32>} : memref<128xf32, #tpu.memory_space<vmem>>, vector<16xf32>,
      %get3A_368 = arith.constant 16 : index
      %get3A_369 = tpu.vector_load %arg30[%get3A_368] {strides = array<i32>} : memref<128xf32, #tpu.memory_space<vmem>>, vector<16xf32>,
      %sub3A_370 = arith.subf %get3A_353, %get3A_359 : vector<16xf32>
      %sub3A_371 = arith.subf %get3A_355, %get3A_361 : vector<16xf32>
      %sub3A_372 = arith.subf %get3A_357, %get3A_363 : vector<16xf32>
      %sub3A_373 = arith.subf %get3A_365, %get3A_359 : vector<16xf32>
      %sub3A_374 = arith.subf %get3A_367, %get3A_361 : vector<16xf32>
      %sub3A_375 = arith.subf %get3A_369, %get3A_363 : vector<16xf32>
      %mul3A_376 = arith.mulf %sub3A_370, %sub3A_373 : vector<16xf32>
      %mul3A_377 = arith.mulf %sub3A_371, %sub3A_374 : vector<16xf32>
      %add3A_378 = arith.addf %mul3A_376, %mul3A_377 : vector<16xf32>
      %mul3A_379 = arith.mulf %sub3A_372, %sub3A_375 : vector<16xf32>
      %add3A_380 = arith.addf %add3A_378, %mul3A_379 : vector<16xf32>
      %mul3A_381 = arith.mulf %sub3A_370, %sub3A_370 : vector<16xf32>
      %mul3A_382 = arith.mulf %sub3A_371, %sub3A_371 : vector<16xf32>
      %add3A_383 = arith.addf %mul3A_381, %mul3A_382 : vector<16xf32>
      %mul3A_384 = arith.mulf %sub3A_372, %sub3A_372 : vector<16xf32>
      %add3A_385 = arith.addf %add3A_383, %mul3A_384 : vector<16xf32>
      %mul3A_386 = arith.mulf %sub3A_373, %sub3A_373 : vector<16xf32>
      %mul3A_387 = arith.mulf %sub3A_374, %sub3A_374 : vector<16xf32>
      %add3A_388 = arith.addf %mul3A_386, %mul3A_387 : vector<16xf32>
      %mul3A_389 = arith.mulf %sub3A_375, %sub3A_375 : vector<16xf32>
      %add3A_390 = arith.addf %add3A_388, %mul3A_389 : vector<16xf32>
      %mul3A_391 = arith.mulf %add3A_385, %add3A_390 : vector<16xf32>
      %max3A_392 = arith.constant 1.000000e-30 : f32
      %max3A_393 = vector.broadcast %max3A_392 : f32 to vector<16xf32>
      %max3A_394 = arith.maximumf %mul3A_391, %max3A_393 : vector<16xf32>
      %bitcast3A_395 = vector.bitcast %max3A_394 : vector<16xf32> to vector<16xi32>
      %shift_right_logical3A_396 = arith.constant 1 : i32
      %shift_right_logical3A_397 = vector.broadcast %shift_right_logical3A_396 : i32 to vector<16xi32>
      %shift_right_logical3A_398 = arith.shrui %bitcast3A_395, %shift_right_logical3A_397 : vector<16xi32>
      %sub3A_399 = arith.constant 1597463007 : i32
      %sub3A_400 = vector.broadcast %sub3A_399 : i32 to vector<16xi32>
      %sub3A_401 = arith.subi %sub3A_400, %shift_right_logical3A_398 : vector<16xi32>
      %bitcast3A_402 = vector.bitcast %sub3A_401 : vector<16xi32> to vector<16xf32>
      %mul3A_403 = arith.constant 5.000000e-01 : f32
      %mul3A_404 = vector.broadcast %mul3A_403 : f32 to vector<16xf32>
      %mul3A_405 = arith.mulf %mul3A_404, %max3A_394 : vector<16xf32>
      %mul3A_406 = arith.mulf %mul3A_405, %bitcast3A_402 : vector<16xf32>
      %mul3A_407 = arith.mulf %mul3A_406, %bitcast3A_402 : vector<16xf32>
      %sub3A_408 = arith.constant 1.500000e+00 : f32
      %sub3A_409 = vector.broadcast %sub3A_408 : f32 to vector<16xf32>
      %sub3A_410 = arith.subf %sub3A_409, %mul3A_407 : vector<16xf32>
      %mul3A_411 = arith.mulf %bitcast3A_402, %sub3A_410 : vector<16xf32>
      %mul3A_412 = arith.constant 5.000000e-01 : f32
      %mul3A_413 = vector.broadcast %mul3A_412 : f32 to vector<16xf32>
      %mul3A_414 = arith.mulf %mul3A_413, %max3A_394 : vector<16xf32>
      %mul3A_415 = arith.mulf %mul3A_414, %mul3A_411 : vector<16xf32>
      %mul3A_416 = arith.mulf %mul3A_415, %mul3A_411 : vector<16xf32>
      %sub3A_417 = arith.constant 1.500000e+00 : f32
      %sub3A_418 = vector.broadcast %sub3A_417 : f32 to vector<16xf32>
      %sub3A_419 = arith.subf %sub3A_418, %mul3A_416 : vector<16xf32>
      %mul3A_420 = arith.mulf %mul3A_411, %sub3A_419 : vector<16xf32>
      %mul3A_421 = arith.constant 5.000000e-01 : f32
      %mul3A_422 = vector.broadcast %mul3A_421 : f32 to vector<16xf32>
      %mul3A_423 = arith.mulf %mul3A_422, %max3A_394 : vector<16xf32>
      %mul3A_424 = arith.mulf %mul3A_423, %mul3A_420 : vector<16xf32>
      %mul3A_425 = arith.mulf %mul3A_424, %mul3A_420 : vector<16xf32>
      %sub3A_426 = arith.constant 1.500000e+00 : f32
      %sub3A_427 = vector.broadcast %sub3A_426 : f32 to vector<16xf32>
      %sub3A_428 = arith.subf %sub3A_427, %mul3A_425 : vector<16xf32>
      %mul3A_429 = arith.mulf %mul3A_420, %sub3A_428 : vector<16xf32>
      %mul3A_430 = arith.mulf %add3A_380, %mul3A_429 : vector<16xf32>
      %max3A_431 = arith.constant -1.000000e+00 : f32
      %max3A_432 = vector.broadcast %max3A_431 : f32 to vector<16xf32>
      %max3A_433 = arith.maximumf %mul3A_430, %max3A_432 : vector<16xf32>
      %min3A_434 = arith.constant 1.000000e+00 : f32
      %min3A_435 = vector.broadcast %min3A_434 : f32 to vector<16xf32>
      %min3A_436 = arith.minimumf %max3A_433, %min3A_435 : vector<16xf32>
      %abs3A_437 = math.absf %min3A_436 : vector<16xf32>
      %mul3A_438 = arith.constant -1.872930e-02 : f32
      %mul3A_439 = vector.broadcast %mul3A_438 : f32 to vector<16xf32>
      %mul3A_440 = arith.mulf %mul3A_439, %abs3A_437 : vector<16xf32>
      %add3A_441 = arith.constant 7.426100e-02 : f32
      %add3A_442 = vector.broadcast %add3A_441 : f32 to vector<16xf32>
      %add3A_443 = arith.addf %mul3A_440, %add3A_442 : vector<16xf32>
      %mul3A_444 = arith.mulf %add3A_443, %abs3A_437 : vector<16xf32>
      %add3A_445 = arith.constant -0.212114394 : f32
      %add3A_446 = vector.broadcast %add3A_445 : f32 to vector<16xf32>
      %add3A_447 = arith.addf %mul3A_444, %add3A_446 : vector<16xf32>
      %mul3A_448 = arith.mulf %add3A_447, %abs3A_437 : vector<16xf32>
      %add3A_449 = arith.constant 1.57072878 : f32
      %add3A_450 = vector.broadcast %add3A_449 : f32 to vector<16xf32>
      %add3A_451 = arith.addf %mul3A_448, %add3A_450 : vector<16xf32>
      %sub3A_452 = arith.constant 1.000000e+00 : f32
      %sub3A_453 = vector.broadcast %sub3A_452 : f32 to vector<16xf32>
      %sub3A_454 = arith.subf %sub3A_453, %abs3A_437 : vector<16xf32>
      %max3A_455 = arith.constant 1.000000e-30 : f32
      %max3A_456 = vector.broadcast %max3A_455 : f32 to vector<16xf32>
      %max3A_457 = arith.maximumf %sub3A_454, %max3A_456 : vector<16xf32>
      %bitcast3A_458 = vector.bitcast %max3A_457 : vector<16xf32> to vector<16xi32>
      %shift_right_logical3A_459 = arith.constant 1 : i32
      %shift_right_logical3A_460 = vector.broadcast %shift_right_logical3A_459 : i32 to vector<16xi32>
      %shift_right_logical3A_461 = arith.shrui %bitcast3A_458, %shift_right_logical3A_460 : vector<16xi32>
      %sub3A_462 = arith.constant 1597463007 : i32
      %sub3A_463 = vector.broadcast %sub3A_462 : i32 to vector<16xi32>
      %sub3A_464 = arith.subi %sub3A_463, %shift_right_logical3A_461 : vector<16xi32>
      %bitcast3A_465 = vector.bitcast %sub3A_464 : vector<16xi32> to vector<16xf32>
      %mul3A_466 = arith.constant 5.000000e-01 : f32
      %mul3A_467 = vector.broadcast %mul3A_466 : f32 to vector<16xf32>
      %mul3A_468 = arith.mulf %mul3A_467, %max3A_457 : vector<16xf32>
      %mul3A_469 = arith.mulf %mul3A_468, %bitcast3A_465 : vector<16xf32>
      %mul3A_470 = arith.mulf %mul3A_469, %bitcast3A_465 : vector<16xf32>
      %sub3A_471 = arith.constant 1.500000e+00 : f32
      %sub3A_472 = vector.broadcast %sub3A_471 : f32 to vector<16xf32>
      %sub3A_473 = arith.subf %sub3A_472, %mul3A_470 : vector<16xf32>
      %mul3A_474 = arith.mulf %bitcast3A_465, %sub3A_473 : vector<16xf32>
      %mul3A_475 = arith.constant 5.000000e-01 : f32
      %mul3A_476 = vector.broadcast %mul3A_475 : f32 to vector<16xf32>
      %mul3A_477 = arith.mulf %mul3A_476, %max3A_457 : vector<16xf32>
      %mul3A_478 = arith.mulf %mul3A_477, %mul3A_474 : vector<16xf32>
      %mul3A_479 = arith.mulf %mul3A_478, %mul3A_474 : vector<16xf32>
      %sub3A_480 = arith.constant 1.500000e+00 : f32
      %sub3A_481 = vector.broadcast %sub3A_480 : f32 to vector<16xf32>
      %sub3A_482 = arith.subf %sub3A_481, %mul3A_479 : vector<16xf32>
      %mul3A_483 = arith.mulf %mul3A_474, %sub3A_482 : vector<16xf32>
      %mul3A_484 = arith.constant 5.000000e-01 : f32
      %mul3A_485 = vector.broadcast %mul3A_484 : f32 to vector<16xf32>
      %mul3A_486 = arith.mulf %mul3A_485, %max3A_457 : vector<16xf32>
      %mul3A_487 = arith.mulf %mul3A_486, %mul3A_483 : vector<16xf32>
      %mul3A_488 = arith.mulf %mul3A_487, %mul3A_483 : vector<16xf32>
      %sub3A_489 = arith.constant 1.500000e+00 : f32
      %sub3A_490 = vector.broadcast %sub3A_489 : f32 to vector<16xf32>
      %sub3A_491 = arith.subf %sub3A_490, %mul3A_488 : vector<16xf32>
      %mul3A_492 = arith.mulf %mul3A_483, %sub3A_491 : vector<16xf32>
      %mul3A_493 = arith.mulf %sub3A_454, %mul3A_492 : vector<16xf32>
      %mul3A_494 = arith.mulf %mul3A_493, %add3A_451 : vector<16xf32>
      %ge3A_495 = arith.constant 0.000000e+00 : f32
      %ge3A_496 = vector.broadcast %ge3A_495 : f32 to vector<16xf32>
      %ge3A_497 = arith.cmpf oge, %min3A_436, %ge3A_496 : vector<16xf32>
      %sub3A_498 = arith.constant 3.14159274 : f32
      %sub3A_499 = vector.broadcast %sub3A_498 : f32 to vector<16xf32>
      %sub3A_500 = arith.subf %sub3A_499, %mul3A_494 : vector<16xf32>
      %select_n3A_501 = arith.select %ge3A_497, %mul3A_494, %sub3A_500 : vector<16xi1>, vector<16xf32>
      %mul3A_502 = arith.constant 128 : i32
      %mul3A_503 = arith.muli %scan3A_24, %mul3A_502 : i32
      %add3A_504 = arith.constant 16 : i32
      %add3A_505 = arith.addi %mul3A_503, %add3A_504 : i32
      %get3A_506 = arith.index_cast %add3A_505 : i32 to index
      %get3A_507 = tpu.vector_load %arg17[%get3A_506] {strides = array<i32>} : memref<6272xf32, #tpu.memory_space<vmem>>, vector<16xf32>,
      %get3A_508 = arith.index_cast %add3A_505 : i32 to index
      %get3A_509 = tpu.vector_load %arg18[%get3A_508] {strides = array<i32>} : memref<6272xf32, #tpu.memory_space<vmem>>, vector<16xf32>,
      %sub3A_510 = arith.subf %select_n3A_501, %get3A_507 : vector<16xf32>
      %mul3A_511 = arith.constant 2.200000e-08 : f32
      %mul3A_512 = vector.broadcast %mul3A_511 : f32 to vector<16xf32>
      %mul3A_513 = arith.mulf %sub3A_510, %mul3A_512 : vector<16xf32>
      %add3A_514 = arith.constant -6.99999987E-7 : f32
      %add3A_515 = vector.broadcast %add3A_514 : f32 to vector<16xf32>
      %add3A_516 = arith.addf %add3A_515, %mul3A_513 : vector<16xf32>
      %mul3A_517 = arith.mulf %sub3A_510, %add3A_516 : vector<16xf32>
      %add3A_518 = arith.constant 5.600000e-05 : f32
      %add3A_519 = vector.broadcast %add3A_518 : f32 to vector<16xf32>
      %add3A_520 = arith.addf %add3A_519, %mul3A_517 : vector<16xf32>
      %mul3A_521 = arith.mulf %sub3A_510, %add3A_520 : vector<16xf32>
      %add3A_522 = arith.constant -1.400000e-02 : f32
      %add3A_523 = vector.broadcast %add3A_522 : f32 to vector<16xf32>
      %add3A_524 = arith.addf %add3A_523, %mul3A_521 : vector<16xf32>
      %mul3A_525 = arith.mulf %sub3A_510, %add3A_524 : vector<16xf32>
      %add3A_526 = arith.constant 1.000000e+00 : f32
      %add3A_527 = vector.broadcast %add3A_526 : f32 to vector<16xf32>
      %add3A_528 = arith.addf %add3A_527, %mul3A_525 : vector<16xf32>
      %mul3A_529 = arith.mulf %sub3A_510, %sub3A_510 : vector<16xf32>
      %mul3A_530 = arith.mulf %get3A_509, %mul3A_529 : vector<16xf32>
      %mul3A_531 = arith.mulf %mul3A_530, %add3A_528 : vector<16xf32>
      %add3A_532 = arith.addf %add3A_351, %mul3A_531 : vector<16xf32>
      %get3A_533 = arith.constant 32 : index
      %get3A_534 = tpu.vector_load %arg22[%get3A_533] {strides = array<i32>} : memref<128xf32, #tpu.memory_space<vmem>>, vector<16xf32>,
      %get3A_535 = arith.constant 32 : index
      %get3A_536 = tpu.vector_load %arg23[%get3A_535] {strides = array<i32>} : memref<128xf32, #tpu.memory_space<vmem>>, vector<16xf32>,
      %get3A_537 = arith.constant 32 : index
      %get3A_538 = tpu.vector_load %arg24[%get3A_537] {strides = array<i32>} : memref<128xf32, #tpu.memory_space<vmem>>, vector<16xf32>,
      %get3A_539 = arith.constant 32 : index
      %get3A_540 = tpu.vector_load %arg25[%get3A_539] {strides = array<i32>} : memref<128xf32, #tpu.memory_space<vmem>>, vector<16xf32>,
      %get3A_541 = arith.constant 32 : index
      %get3A_542 = tpu.vector_load %arg26[%get3A_541] {strides = array<i32>} : memref<128xf32, #tpu.memory_space<vmem>>, vector<16xf32>,
      %get3A_543 = arith.constant 32 : index
      %get3A_544 = tpu.vector_load %arg27[%get3A_543] {strides = array<i32>} : memref<128xf32, #tpu.memory_space<vmem>>, vector<16xf32>,
      %get3A_545 = arith.constant 32 : index
      %get3A_546 = tpu.vector_load %arg28[%get3A_545] {strides = array<i32>} : memref<128xf32, #tpu.memory_space<vmem>>, vector<16xf32>,
      %get3A_547 = arith.constant 32 : index
      %get3A_548 = tpu.vector_load %arg29[%get3A_547] {strides = array<i32>} : memref<128xf32, #tpu.memory_space<vmem>>, vector<16xf32>,
      %get3A_549 = arith.constant 32 : index
      %get3A_550 = tpu.vector_load %arg30[%get3A_549] {strides = array<i32>} : memref<128xf32, #tpu.memory_space<vmem>>, vector<16xf32>,
      %sub3A_551 = arith.subf %get3A_534, %get3A_540 : vector<16xf32>
      %sub3A_552 = arith.subf %get3A_536, %get3A_542 : vector<16xf32>
      %sub3A_553 = arith.subf %get3A_538, %get3A_544 : vector<16xf32>
      %sub3A_554 = arith.subf %get3A_546, %get3A_540 : vector<16xf32>
      %sub3A_555 = arith.subf %get3A_548, %get3A_542 : vector<16xf32>
      %sub3A_556 = arith.subf %get3A_550, %get3A_544 : vector<16xf32>
      %mul3A_557 = arith.mulf %sub3A_551, %sub3A_554 : vector<16xf32>
      %mul3A_558 = arith.mulf %sub3A_552, %sub3A_555 : vector<16xf32>
      %add3A_559 = arith.addf %mul3A_557, %mul3A_558 : vector<16xf32>
      %mul3A_560 = arith.mulf %sub3A_553, %sub3A_556 : vector<16xf32>
      %add3A_561 = arith.addf %add3A_559, %mul3A_560 : vector<16xf32>
      %mul3A_562 = arith.mulf %sub3A_551, %sub3A_551 : vector<16xf32>
      %mul3A_563 = arith.mulf %sub3A_552, %sub3A_552 : vector<16xf32>
      %add3A_564 = arith.addf %mul3A_562, %mul3A_563 : vector<16xf32>
      %mul3A_565 = arith.mulf %sub3A_553, %sub3A_553 : vector<16xf32>
      %add3A_566 = arith.addf %add3A_564, %mul3A_565 : vector<16xf32>
      %mul3A_567 = arith.mulf %sub3A_554, %sub3A_554 : vector<16xf32>
      %mul3A_568 = arith.mulf %sub3A_555, %sub3A_555 : vector<16xf32>
      %add3A_569 = arith.addf %mul3A_567, %mul3A_568 : vector<16xf32>
      %mul3A_570 = arith.mulf %sub3A_556, %sub3A_556 : vector<16xf32>
      %add3A_571 = arith.addf %add3A_569, %mul3A_570 : vector<16xf32>
      %mul3A_572 = arith.mulf %add3A_566, %add3A_571 : vector<16xf32>
      %max3A_573 = arith.constant 1.000000e-30 : f32
      %max3A_574 = vector.broadcast %max3A_573 : f32 to vector<16xf32>
      %max3A_575 = arith.maximumf %mul3A_572, %max3A_574 : vector<16xf32>
      %bitcast3A_576 = vector.bitcast %max3A_575 : vector<16xf32> to vector<16xi32>
      %shift_right_logical3A_577 = arith.constant 1 : i32
      %shift_right_logical3A_578 = vector.broadcast %shift_right_logical3A_577 : i32 to vector<16xi32>
      %shift_right_logical3A_579 = arith.shrui %bitcast3A_576, %shift_right_logical3A_578 : vector<16xi32>
      %sub3A_580 = arith.constant 1597463007 : i32
      %sub3A_581 = vector.broadcast %sub3A_580 : i32 to vector<16xi32>
      %sub3A_582 = arith.subi %sub3A_581, %shift_right_logical3A_579 : vector<16xi32>
      %bitcast3A_583 = vector.bitcast %sub3A_582 : vector<16xi32> to vector<16xf32>
      %mul3A_584 = arith.constant 5.000000e-01 : f32
      %mul3A_585 = vector.broadcast %mul3A_584 : f32 to vector<16xf32>
      %mul3A_586 = arith.mulf %mul3A_585, %max3A_575 : vector<16xf32>
      %mul3A_587 = arith.mulf %mul3A_586, %bitcast3A_583 : vector<16xf32>
      %mul3A_588 = arith.mulf %mul3A_587, %bitcast3A_583 : vector<16xf32>
      %sub3A_589 = arith.constant 1.500000e+00 : f32
      %sub3A_590 = vector.broadcast %sub3A_589 : f32 to vector<16xf32>
      %sub3A_591 = arith.subf %sub3A_590, %mul3A_588 : vector<16xf32>
      %mul3A_592 = arith.mulf %bitcast3A_583, %sub3A_591 : vector<16xf32>
      %mul3A_593 = arith.constant 5.000000e-01 : f32
      %mul3A_594 = vector.broadcast %mul3A_593 : f32 to vector<16xf32>
      %mul3A_595 = arith.mulf %mul3A_594, %max3A_575 : vector<16xf32>
      %mul3A_596 = arith.mulf %mul3A_595, %mul3A_592 : vector<16xf32>
      %mul3A_597 = arith.mulf %mul3A_596, %mul3A_592 : vector<16xf32>
      %sub3A_598 = arith.constant 1.500000e+00 : f32
      %sub3A_599 = vector.broadcast %sub3A_598 : f32 to vector<16xf32>
      %sub3A_600 = arith.subf %sub3A_599, %mul3A_597 : vector<16xf32>
      %mul3A_601 = arith.mulf %mul3A_592, %sub3A_600 : vector<16xf32>
      %mul3A_602 = arith.constant 5.000000e-01 : f32
      %mul3A_603 = vector.broadcast %mul3A_602 : f32 to vector<16xf32>
      %mul3A_604 = arith.mulf %mul3A_603, %max3A_575 : vector<16xf32>
      %mul3A_605 = arith.mulf %mul3A_604, %mul3A_601 : vector<16xf32>
      %mul3A_606 = arith.mulf %mul3A_605, %mul3A_601 : vector<16xf32>
      %sub3A_607 = arith.constant 1.500000e+00 : f32
      %sub3A_608 = vector.broadcast %sub3A_607 : f32 to vector<16xf32>
      %sub3A_609 = arith.subf %sub3A_608, %mul3A_606 : vector<16xf32>
      %mul3A_610 = arith.mulf %mul3A_601, %sub3A_609 : vector<16xf32>
      %mul3A_611 = arith.mulf %add3A_561, %mul3A_610 : vector<16xf32>
      %max3A_612 = arith.constant -1.000000e+00 : f32
      %max3A_613 = vector.broadcast %max3A_612 : f32 to vector<16xf32>
      %max3A_614 = arith.maximumf %mul3A_611, %max3A_613 : vector<16xf32>
      %min3A_615 = arith.constant 1.000000e+00 : f32
      %min3A_616 = vector.broadcast %min3A_615 : f32 to vector<16xf32>
      %min3A_617 = arith.minimumf %max3A_614, %min3A_616 : vector<16xf32>
      %abs3A_618 = math.absf %min3A_617 : vector<16xf32>
      %mul3A_619 = arith.constant -1.872930e-02 : f32
      %mul3A_620 = vector.broadcast %mul3A_619 : f32 to vector<16xf32>
      %mul3A_621 = arith.mulf %mul3A_620, %abs3A_618 : vector<16xf32>
      %add3A_622 = arith.constant 7.426100e-02 : f32
      %add3A_623 = vector.broadcast %add3A_622 : f32 to vector<16xf32>
      %add3A_624 = arith.addf %mul3A_621, %add3A_623 : vector<16xf32>
      %mul3A_625 = arith.mulf %add3A_624, %abs3A_618 : vector<16xf32>
      %add3A_626 = arith.constant -0.212114394 : f32
      %add3A_627 = vector.broadcast %add3A_626 : f32 to vector<16xf32>
      %add3A_628 = arith.addf %mul3A_625, %add3A_627 : vector<16xf32>
      %mul3A_629 = arith.mulf %add3A_628, %abs3A_618 : vector<16xf32>
      %add3A_630 = arith.constant 1.57072878 : f32
      %add3A_631 = vector.broadcast %add3A_630 : f32 to vector<16xf32>
      %add3A_632 = arith.addf %mul3A_629, %add3A_631 : vector<16xf32>
      %sub3A_633 = arith.constant 1.000000e+00 : f32
      %sub3A_634 = vector.broadcast %sub3A_633 : f32 to vector<16xf32>
      %sub3A_635 = arith.subf %sub3A_634, %abs3A_618 : vector<16xf32>
      %max3A_636 = arith.constant 1.000000e-30 : f32
      %max3A_637 = vector.broadcast %max3A_636 : f32 to vector<16xf32>
      %max3A_638 = arith.maximumf %sub3A_635, %max3A_637 : vector<16xf32>
      %bitcast3A_639 = vector.bitcast %max3A_638 : vector<16xf32> to vector<16xi32>
      %shift_right_logical3A_640 = arith.constant 1 : i32
      %shift_right_logical3A_641 = vector.broadcast %shift_right_logical3A_640 : i32 to vector<16xi32>
      %shift_right_logical3A_642 = arith.shrui %bitcast3A_639, %shift_right_logical3A_641 : vector<16xi32>
      %sub3A_643 = arith.constant 1597463007 : i32
      %sub3A_644 = vector.broadcast %sub3A_643 : i32 to vector<16xi32>
      %sub3A_645 = arith.subi %sub3A_644, %shift_right_logical3A_642 : vector<16xi32>
      %bitcast3A_646 = vector.bitcast %sub3A_645 : vector<16xi32> to vector<16xf32>
      %mul3A_647 = arith.constant 5.000000e-01 : f32
      %mul3A_648 = vector.broadcast %mul3A_647 : f32 to vector<16xf32>
      %mul3A_649 = arith.mulf %mul3A_648, %max3A_638 : vector<16xf32>
      %mul3A_650 = arith.mulf %mul3A_649, %bitcast3A_646 : vector<16xf32>
      %mul3A_651 = arith.mulf %mul3A_650, %bitcast3A_646 : vector<16xf32>
      %sub3A_652 = arith.constant 1.500000e+00 : f32
      %sub3A_653 = vector.broadcast %sub3A_652 : f32 to vector<16xf32>
      %sub3A_654 = arith.subf %sub3A_653, %mul3A_651 : vector<16xf32>
      %mul3A_655 = arith.mulf %bitcast3A_646, %sub3A_654 : vector<16xf32>
      %mul3A_656 = arith.constant 5.000000e-01 : f32
      %mul3A_657 = vector.broadcast %mul3A_656 : f32 to vector<16xf32>
      %mul3A_658 = arith.mulf %mul3A_657, %max3A_638 : vector<16xf32>
      %mul3A_659 = arith.mulf %mul3A_658, %mul3A_655 : vector<16xf32>
      %mul3A_660 = arith.mulf %mul3A_659, %mul3A_655 : vector<16xf32>
      %sub3A_661 = arith.constant 1.500000e+00 : f32
      %sub3A_662 = vector.broadcast %sub3A_661 : f32 to vector<16xf32>
      %sub3A_663 = arith.subf %sub3A_662, %mul3A_660 : vector<16xf32>
      %mul3A_664 = arith.mulf %mul3A_655, %sub3A_663 : vector<16xf32>
      %mul3A_665 = arith.constant 5.000000e-01 : f32
      %mul3A_666 = vector.broadcast %mul3A_665 : f32 to vector<16xf32>
      %mul3A_667 = arith.mulf %mul3A_666, %max3A_638 : vector<16xf32>
      %mul3A_668 = arith.mulf %mul3A_667, %mul3A_664 : vector<16xf32>
      %mul3A_669 = arith.mulf %mul3A_668, %mul3A_664 : vector<16xf32>
      %sub3A_670 = arith.constant 1.500000e+00 : f32
      %sub3A_671 = vector.broadcast %sub3A_670 : f32 to vector<16xf32>
      %sub3A_672 = arith.subf %sub3A_671, %mul3A_669 : vector<16xf32>
      %mul3A_673 = arith.mulf %mul3A_664, %sub3A_672 : vector<16xf32>
      %mul3A_674 = arith.mulf %sub3A_635, %mul3A_673 : vector<16xf32>
      %mul3A_675 = arith.mulf %mul3A_674, %add3A_632 : vector<16xf32>
      %ge3A_676 = arith.constant 0.000000e+00 : f32
      %ge3A_677 = vector.broadcast %ge3A_676 : f32 to vector<16xf32>
      %ge3A_678 = arith.cmpf oge, %min3A_617, %ge3A_677 : vector<16xf32>
      %sub3A_679 = arith.constant 3.14159274 : f32
      %sub3A_680 = vector.broadcast %sub3A_679 : f32 to vector<16xf32>
      %sub3A_681 = arith.subf %sub3A_680, %mul3A_675 : vector<16xf32>
      %select_n3A_682 = arith.select %ge3A_678, %mul3A_675, %sub3A_681 : vector<16xi1>, vector<16xf32>
      %mul3A_683 = arith.constant 128 : i32
      %mul3A_684 = arith.muli %scan3A_24, %mul3A_683 : i32
      %add3A_685 = arith.constant 32 : i32
      %add3A_686 = arith.addi %mul3A_684, %add3A_685 : i32
      %get3A_687 = arith.index_cast %add3A_686 : i32 to index
      %get3A_688 = tpu.vector_load %arg17[%get3A_687] {strides = array<i32>} : memref<6272xf32, #tpu.memory_space<vmem>>, vector<16xf32>,
      %get3A_689 = arith.index_cast %add3A_686 : i32 to index
      %get3A_690 = tpu.vector_load %arg18[%get3A_689] {strides = array<i32>} : memref<6272xf32, #tpu.memory_space<vmem>>, vector<16xf32>,
      %sub3A_691 = arith.subf %select_n3A_682, %get3A_688 : vector<16xf32>
      %mul3A_692 = arith.constant 2.200000e-08 : f32
      %mul3A_693 = vector.broadcast %mul3A_692 : f32 to vector<16xf32>
      %mul3A_694 = arith.mulf %sub3A_691, %mul3A_693 : vector<16xf32>
      %add3A_695 = arith.constant -6.99999987E-7 : f32
      %add3A_696 = vector.broadcast %add3A_695 : f32 to vector<16xf32>
      %add3A_697 = arith.addf %add3A_696, %mul3A_694 : vector<16xf32>
      %mul3A_698 = arith.mulf %sub3A_691, %add3A_697 : vector<16xf32>
      %add3A_699 = arith.constant 5.600000e-05 : f32
      %add3A_700 = vector.broadcast %add3A_699 : f32 to vector<16xf32>
      %add3A_701 = arith.addf %add3A_700, %mul3A_698 : vector<16xf32>
      %mul3A_702 = arith.mulf %sub3A_691, %add3A_701 : vector<16xf32>
      %add3A_703 = arith.constant -1.400000e-02 : f32
      %add3A_704 = vector.broadcast %add3A_703 : f32 to vector<16xf32>
      %add3A_705 = arith.addf %add3A_704, %mul3A_702 : vector<16xf32>
      %mul3A_706 = arith.mulf %sub3A_691, %add3A_705 : vector<16xf32>
      %add3A_707 = arith.constant 1.000000e+00 : f32
      %add3A_708 = vector.broadcast %add3A_707 : f32 to vector<16xf32>
      %add3A_709 = arith.addf %add3A_708, %mul3A_706 : vector<16xf32>
      %mul3A_710 = arith.mulf %sub3A_691, %sub3A_691 : vector<16xf32>
      %mul3A_711 = arith.mulf %get3A_690, %mul3A_710 : vector<16xf32>
      %mul3A_712 = arith.mulf %mul3A_711, %add3A_709 : vector<16xf32>
      %add3A_713 = arith.addf %add3A_532, %mul3A_712 : vector<16xf32>
      %get3A_714 = arith.constant 48 : index
      %get3A_715 = tpu.vector_load %arg22[%get3A_714] {strides = array<i32>} : memref<128xf32, #tpu.memory_space<vmem>>, vector<16xf32>,
      %get3A_716 = arith.constant 48 : index
      %get3A_717 = tpu.vector_load %arg23[%get3A_716] {strides = array<i32>} : memref<128xf32, #tpu.memory_space<vmem>>, vector<16xf32>,
      %get3A_718 = arith.constant 48 : index
      %get3A_719 = tpu.vector_load %arg24[%get3A_718] {strides = array<i32>} : memref<128xf32, #tpu.memory_space<vmem>>, vector<16xf32>,
      %get3A_720 = arith.constant 48 : index
      %get3A_721 = tpu.vector_load %arg25[%get3A_720] {strides = array<i32>} : memref<128xf32, #tpu.memory_space<vmem>>, vector<16xf32>,
      %get3A_722 = arith.constant 48 : index
      %get3A_723 = tpu.vector_load %arg26[%get3A_722] {strides = array<i32>} : memref<128xf32, #tpu.memory_space<vmem>>, vector<16xf32>,
      %get3A_724 = arith.constant 48 : index
      %get3A_725 = tpu.vector_load %arg27[%get3A_724] {strides = array<i32>} : memref<128xf32, #tpu.memory_space<vmem>>, vector<16xf32>,
      %get3A_726 = arith.constant 48 : index
      %get3A_727 = tpu.vector_load %arg28[%get3A_726] {strides = array<i32>} : memref<128xf32, #tpu.memory_space<vmem>>, vector<16xf32>,
      %get3A_728 = arith.constant 48 : index
      %get3A_729 = tpu.vector_load %arg29[%get3A_728] {strides = array<i32>} : memref<128xf32, #tpu.memory_space<vmem>>, vector<16xf32>,
      %get3A_730 = arith.constant 48 : index
      %get3A_731 = tpu.vector_load %arg30[%get3A_730] {strides = array<i32>} : memref<128xf32, #tpu.memory_space<vmem>>, vector<16xf32>,
      %sub3A_732 = arith.subf %get3A_715, %get3A_721 : vector<16xf32>
      %sub3A_733 = arith.subf %get3A_717, %get3A_723 : vector<16xf32>
      %sub3A_734 = arith.subf %get3A_719, %get3A_725 : vector<16xf32>
      %sub3A_735 = arith.subf %get3A_727, %get3A_721 : vector<16xf32>
      %sub3A_736 = arith.subf %get3A_729, %get3A_723 : vector<16xf32>
      %sub3A_737 = arith.subf %get3A_731, %get3A_725 : vector<16xf32>
      %mul3A_738 = arith.mulf %sub3A_732, %sub3A_735 : vector<16xf32>
      %mul3A_739 = arith.mulf %sub3A_733, %sub3A_736 : vector<16xf32>
      %add3A_740 = arith.addf %mul3A_738, %mul3A_739 : vector<16xf32>
      %mul3A_741 = arith.mulf %sub3A_734, %sub3A_737 : vector<16xf32>
      %add3A_742 = arith.addf %add3A_740, %mul3A_741 : vector<16xf32>
      %mul3A_743 = arith.mulf %sub3A_732, %sub3A_732 : vector<16xf32>
      %mul3A_744 = arith.mulf %sub3A_733, %sub3A_733 : vector<16xf32>
      %add3A_745 = arith.addf %mul3A_743, %mul3A_744 : vector<16xf32>
      %mul3A_746 = arith.mulf %sub3A_734, %sub3A_734 : vector<16xf32>
      %add3A_747 = arith.addf %add3A_745, %mul3A_746 : vector<16xf32>
      %mul3A_748 = arith.mulf %sub3A_735, %sub3A_735 : vector<16xf32>
      %mul3A_749 = arith.mulf %sub3A_736, %sub3A_736 : vector<16xf32>
      %add3A_750 = arith.addf %mul3A_748, %mul3A_749 : vector<16xf32>
      %mul3A_751 = arith.mulf %sub3A_737, %sub3A_737 : vector<16xf32>
      %add3A_752 = arith.addf %add3A_750, %mul3A_751 : vector<16xf32>
      %mul3A_753 = arith.mulf %add3A_747, %add3A_752 : vector<16xf32>
      %max3A_754 = arith.constant 1.000000e-30 : f32
      %max3A_755 = vector.broadcast %max3A_754 : f32 to vector<16xf32>
      %max3A_756 = arith.maximumf %mul3A_753, %max3A_755 : vector<16xf32>
      %bitcast3A_757 = vector.bitcast %max3A_756 : vector<16xf32> to vector<16xi32>
      %shift_right_logical3A_758 = arith.constant 1 : i32
      %shift_right_logical3A_759 = vector.broadcast %shift_right_logical3A_758 : i32 to vector<16xi32>
      %shift_right_logical3A_760 = arith.shrui %bitcast3A_757, %shift_right_logical3A_759 : vector<16xi32>
      %sub3A_761 = arith.constant 1597463007 : i32
      %sub3A_762 = vector.broadcast %sub3A_761 : i32 to vector<16xi32>
      %sub3A_763 = arith.subi %sub3A_762, %shift_right_logical3A_760 : vector<16xi32>
      %bitcast3A_764 = vector.bitcast %sub3A_763 : vector<16xi32> to vector<16xf32>
      %mul3A_765 = arith.constant 5.000000e-01 : f32
      %mul3A_766 = vector.broadcast %mul3A_765 : f32 to vector<16xf32>
      %mul3A_767 = arith.mulf %mul3A_766, %max3A_756 : vector<16xf32>
      %mul3A_768 = arith.mulf %mul3A_767, %bitcast3A_764 : vector<16xf32>
      %mul3A_769 = arith.mulf %mul3A_768, %bitcast3A_764 : vector<16xf32>
      %sub3A_770 = arith.constant 1.500000e+00 : f32
      %sub3A_771 = vector.broadcast %sub3A_770 : f32 to vector<16xf32>
      %sub3A_772 = arith.subf %sub3A_771, %mul3A_769 : vector<16xf32>
      %mul3A_773 = arith.mulf %bitcast3A_764, %sub3A_772 : vector<16xf32>
      %mul3A_774 = arith.constant 5.000000e-01 : f32
      %mul3A_775 = vector.broadcast %mul3A_774 : f32 to vector<16xf32>
      %mul3A_776 = arith.mulf %mul3A_775, %max3A_756 : vector<16xf32>
      %mul3A_777 = arith.mulf %mul3A_776, %mul3A_773 : vector<16xf32>
      %mul3A_778 = arith.mulf %mul3A_777, %mul3A_773 : vector<16xf32>
      %sub3A_779 = arith.constant 1.500000e+00 : f32
      %sub3A_780 = vector.broadcast %sub3A_779 : f32 to vector<16xf32>
      %sub3A_781 = arith.subf %sub3A_780, %mul3A_778 : vector<16xf32>
      %mul3A_782 = arith.mulf %mul3A_773, %sub3A_781 : vector<16xf32>
      %mul3A_783 = arith.constant 5.000000e-01 : f32
      %mul3A_784 = vector.broadcast %mul3A_783 : f32 to vector<16xf32>
      %mul3A_785 = arith.mulf %mul3A_784, %max3A_756 : vector<16xf32>
      %mul3A_786 = arith.mulf %mul3A_785, %mul3A_782 : vector<16xf32>
      %mul3A_787 = arith.mulf %mul3A_786, %mul3A_782 : vector<16xf32>
      %sub3A_788 = arith.constant 1.500000e+00 : f32
      %sub3A_789 = vector.broadcast %sub3A_788 : f32 to vector<16xf32>
      %sub3A_790 = arith.subf %sub3A_789, %mul3A_787 : vector<16xf32>
      %mul3A_791 = arith.mulf %mul3A_782, %sub3A_790 : vector<16xf32>
      %mul3A_792 = arith.mulf %add3A_742, %mul3A_791 : vector<16xf32>
      %max3A_793 = arith.constant -1.000000e+00 : f32
      %max3A_794 = vector.broadcast %max3A_793 : f32 to vector<16xf32>
      %max3A_795 = arith.maximumf %mul3A_792, %max3A_794 : vector<16xf32>
      %min3A_796 = arith.constant 1.000000e+00 : f32
      %min3A_797 = vector.broadcast %min3A_796 : f32 to vector<16xf32>
      %min3A_798 = arith.minimumf %max3A_795, %min3A_797 : vector<16xf32>
      %abs3A_799 = math.absf %min3A_798 : vector<16xf32>
      %mul3A_800 = arith.constant -1.872930e-02 : f32
      %mul3A_801 = vector.broadcast %mul3A_800 : f32 to vector<16xf32>
      %mul3A_802 = arith.mulf %mul3A_801, %abs3A_799 : vector<16xf32>
      %add3A_803 = arith.constant 7.426100e-02 : f32
      %add3A_804 = vector.broadcast %add3A_803 : f32 to vector<16xf32>
      %add3A_805 = arith.addf %mul3A_802, %add3A_804 : vector<16xf32>
      %mul3A_806 = arith.mulf %add3A_805, %abs3A_799 : vector<16xf32>
      %add3A_807 = arith.constant -0.212114394 : f32
      %add3A_808 = vector.broadcast %add3A_807 : f32 to vector<16xf32>
      %add3A_809 = arith.addf %mul3A_806, %add3A_808 : vector<16xf32>
      %mul3A_810 = arith.mulf %add3A_809, %abs3A_799 : vector<16xf32>
      %add3A_811 = arith.constant 1.57072878 : f32
      %add3A_812 = vector.broadcast %add3A_811 : f32 to vector<16xf32>
      %add3A_813 = arith.addf %mul3A_810, %add3A_812 : vector<16xf32>
      %sub3A_814 = arith.constant 1.000000e+00 : f32
      %sub3A_815 = vector.broadcast %sub3A_814 : f32 to vector<16xf32>
      %sub3A_816 = arith.subf %sub3A_815, %abs3A_799 : vector<16xf32>
      %max3A_817 = arith.constant 1.000000e-30 : f32
      %max3A_818 = vector.broadcast %max3A_817 : f32 to vector<16xf32>
      %max3A_819 = arith.maximumf %sub3A_816, %max3A_818 : vector<16xf32>
      %bitcast3A_820 = vector.bitcast %max3A_819 : vector<16xf32> to vector<16xi32>
      %shift_right_logical3A_821 = arith.constant 1 : i32
      %shift_right_logical3A_822 = vector.broadcast %shift_right_logical3A_821 : i32 to vector<16xi32>
      %shift_right_logical3A_823 = arith.shrui %bitcast3A_820, %shift_right_logical3A_822 : vector<16xi32>
      %sub3A_824 = arith.constant 1597463007 : i32
      %sub3A_825 = vector.broadcast %sub3A_824 : i32 to vector<16xi32>
      %sub3A_826 = arith.subi %sub3A_825, %shift_right_logical3A_823 : vector<16xi32>
      %bitcast3A_827 = vector.bitcast %sub3A_826 : vector<16xi32> to vector<16xf32>
      %mul3A_828 = arith.constant 5.000000e-01 : f32
      %mul3A_829 = vector.broadcast %mul3A_828 : f32 to vector<16xf32>
      %mul3A_830 = arith.mulf %mul3A_829, %max3A_819 : vector<16xf32>
      %mul3A_831 = arith.mulf %mul3A_830, %bitcast3A_827 : vector<16xf32>
      %mul3A_832 = arith.mulf %mul3A_831, %bitcast3A_827 : vector<16xf32>
      %sub3A_833 = arith.constant 1.500000e+00 : f32
      %sub3A_834 = vector.broadcast %sub3A_833 : f32 to vector<16xf32>
      %sub3A_835 = arith.subf %sub3A_834, %mul3A_832 : vector<16xf32>
      %mul3A_836 = arith.mulf %bitcast3A_827, %sub3A_835 : vector<16xf32>
      %mul3A_837 = arith.constant 5.000000e-01 : f32
      %mul3A_838 = vector.broadcast %mul3A_837 : f32 to vector<16xf32>
      %mul3A_839 = arith.mulf %mul3A_838, %max3A_819 : vector<16xf32>
      %mul3A_840 = arith.mulf %mul3A_839, %mul3A_836 : vector<16xf32>
      %mul3A_841 = arith.mulf %mul3A_840, %mul3A_836 : vector<16xf32>
      %sub3A_842 = arith.constant 1.500000e+00 : f32
      %sub3A_843 = vector.broadcast %sub3A_842 : f32 to vector<16xf32>
      %sub3A_844 = arith.subf %sub3A_843, %mul3A_841 : vector<16xf32>
      %mul3A_845 = arith.mulf %mul3A_836, %sub3A_844 : vector<16xf32>
      %mul3A_846 = arith.constant 5.000000e-01 : f32
      %mul3A_847 = vector.broadcast %mul3A_846 : f32 to vector<16xf32>
      %mul3A_848 = arith.mulf %mul3A_847, %max3A_819 : vector<16xf32>
      %mul3A_849 = arith.mulf %mul3A_848, %mul3A_845 : vector<16xf32>
      %mul3A_850 = arith.mulf %mul3A_849, %mul3A_845 : vector<16xf32>
      %sub3A_851 = arith.constant 1.500000e+00 : f32
      %sub3A_852 = vector.broadcast %sub3A_851 : f32 to vector<16xf32>
      %sub3A_853 = arith.subf %sub3A_852, %mul3A_850 : vector<16xf32>
      %mul3A_854 = arith.mulf %mul3A_845, %sub3A_853 : vector<16xf32>
      %mul3A_855 = arith.mulf %sub3A_816, %mul3A_854 : vector<16xf32>
      %mul3A_856 = arith.mulf %mul3A_855, %add3A_813 : vector<16xf32>
      %ge3A_857 = arith.constant 0.000000e+00 : f32
      %ge3A_858 = vector.broadcast %ge3A_857 : f32 to vector<16xf32>
      %ge3A_859 = arith.cmpf oge, %min3A_798, %ge3A_858 : vector<16xf32>
      %sub3A_860 = arith.constant 3.14159274 : f32
      %sub3A_861 = vector.broadcast %sub3A_860 : f32 to vector<16xf32>
      %sub3A_862 = arith.subf %sub3A_861, %mul3A_856 : vector<16xf32>
      %select_n3A_863 = arith.select %ge3A_859, %mul3A_856, %sub3A_862 : vector<16xi1>, vector<16xf32>
      %mul3A_864 = arith.constant 128 : i32
      %mul3A_865 = arith.muli %scan3A_24, %mul3A_864 : i32
      %add3A_866 = arith.constant 48 : i32
      %add3A_867 = arith.addi %mul3A_865, %add3A_866 : i32
      %get3A_868 = arith.index_cast %add3A_867 : i32 to index
      %get3A_869 = tpu.vector_load %arg17[%get3A_868] {strides = array<i32>} : memref<6272xf32, #tpu.memory_space<vmem>>, vector<16xf32>,
      %get3A_870 = arith.index_cast %add3A_867 : i32 to index
      %get3A_871 = tpu.vector_load %arg18[%get3A_870] {strides = array<i32>} : memref<6272xf32, #tpu.memory_space<vmem>>, vector<16xf32>,
      %sub3A_872 = arith.subf %select_n3A_863, %get3A_869 : vector<16xf32>
      %mul3A_873 = arith.constant 2.200000e-08 : f32
      %mul3A_874 = vector.broadcast %mul3A_873 : f32 to vector<16xf32>
      %mul3A_875 = arith.mulf %sub3A_872, %mul3A_874 : vector<16xf32>
      %add3A_876 = arith.constant -6.99999987E-7 : f32
      %add3A_877 = vector.broadcast %add3A_876 : f32 to vector<16xf32>
      %add3A_878 = arith.addf %add3A_877, %mul3A_875 : vector<16xf32>
      %mul3A_879 = arith.mulf %sub3A_872, %add3A_878 : vector<16xf32>
      %add3A_880 = arith.constant 5.600000e-05 : f32
      %add3A_881 = vector.broadcast %add3A_880 : f32 to vector<16xf32>
      %add3A_882 = arith.addf %add3A_881, %mul3A_879 : vector<16xf32>
      %mul3A_883 = arith.mulf %sub3A_872, %add3A_882 : vector<16xf32>
      %add3A_884 = arith.constant -1.400000e-02 : f32
      %add3A_885 = vector.broadcast %add3A_884 : f32 to vector<16xf32>
      %add3A_886 = arith.addf %add3A_885, %mul3A_883 : vector<16xf32>
      %mul3A_887 = arith.mulf %sub3A_872, %add3A_886 : vector<16xf32>
      %add3A_888 = arith.constant 1.000000e+00 : f32
      %add3A_889 = vector.broadcast %add3A_888 : f32 to vector<16xf32>
      %add3A_890 = arith.addf %add3A_889, %mul3A_887 : vector<16xf32>
      %mul3A_891 = arith.mulf %sub3A_872, %sub3A_872 : vector<16xf32>
      %mul3A_892 = arith.mulf %get3A_871, %mul3A_891 : vector<16xf32>
      %mul3A_893 = arith.mulf %mul3A_892, %add3A_890 : vector<16xf32>
      %add3A_894 = arith.addf %add3A_713, %mul3A_893 : vector<16xf32>
      %get3A_895 = arith.constant 64 : index
      %get3A_896 = tpu.vector_load %arg22[%get3A_895] {strides = array<i32>} : memref<128xf32, #tpu.memory_space<vmem>>, vector<16xf32>,
      %get3A_897 = arith.constant 64 : index
      %get3A_898 = tpu.vector_load %arg23[%get3A_897] {strides = array<i32>} : memref<128xf32, #tpu.memory_space<vmem>>, vector<16xf32>,
      %get3A_899 = arith.constant 64 : index
      %get3A_900 = tpu.vector_load %arg24[%get3A_899] {strides = array<i32>} : memref<128xf32, #tpu.memory_space<vmem>>, vector<16xf32>,
      %get3A_901 = arith.constant 64 : index
      %get3A_902 = tpu.vector_load %arg25[%get3A_901] {strides = array<i32>} : memref<128xf32, #tpu.memory_space<vmem>>, vector<16xf32>,
      %get3A_903 = arith.constant 64 : index
      %get3A_904 = tpu.vector_load %arg26[%get3A_903] {strides = array<i32>} : memref<128xf32, #tpu.memory_space<vmem>>, vector<16xf32>,
      %get3A_905 = arith.constant 64 : index
      %get3A_906 = tpu.vector_load %arg27[%get3A_905] {strides = array<i32>} : memref<128xf32, #tpu.memory_space<vmem>>, vector<16xf32>,
      %get3A_907 = arith.constant 64 : index
      %get3A_908 = tpu.vector_load %arg28[%get3A_907] {strides = array<i32>} : memref<128xf32, #tpu.memory_space<vmem>>, vector<16xf32>,
      %get3A_909 = arith.constant 64 : index
      %get3A_910 = tpu.vector_load %arg29[%get3A_909] {strides = array<i32>} : memref<128xf32, #tpu.memory_space<vmem>>, vector<16xf32>,
      %get3A_911 = arith.constant 64 : index
      %get3A_912 = tpu.vector_load %arg30[%get3A_911] {strides = array<i32>} : memref<128xf32, #tpu.memory_space<vmem>>, vector<16xf32>,
      %sub3A_913 = arith.subf %get3A_896, %get3A_902 : vector<16xf32>
      %sub3A_914 = arith.subf %get3A_898, %get3A_904 : vector<16xf32>
      %sub3A_915 = arith.subf %get3A_900, %get3A_906 : vector<16xf32>
      %sub3A_916 = arith.subf %get3A_908, %get3A_902 : vector<16xf32>
      %sub3A_917 = arith.subf %get3A_910, %get3A_904 : vector<16xf32>
      %sub3A_918 = arith.subf %get3A_912, %get3A_906 : vector<16xf32>
      %mul3A_919 = arith.mulf %sub3A_913, %sub3A_916 : vector<16xf32>
      %mul3A_920 = arith.mulf %sub3A_914, %sub3A_917 : vector<16xf32>
      %add3A_921 = arith.addf %mul3A_919, %mul3A_920 : vector<16xf32>
      %mul3A_922 = arith.mulf %sub3A_915, %sub3A_918 : vector<16xf32>
      %add3A_923 = arith.addf %add3A_921, %mul3A_922 : vector<16xf32>
      %mul3A_924 = arith.mulf %sub3A_913, %sub3A_913 : vector<16xf32>
      %mul3A_925 = arith.mulf %sub3A_914, %sub3A_914 : vector<16xf32>
      %add3A_926 = arith.addf %mul3A_924, %mul3A_925 : vector<16xf32>
      %mul3A_927 = arith.mulf %sub3A_915, %sub3A_915 : vector<16xf32>
      %add3A_928 = arith.addf %add3A_926, %mul3A_927 : vector<16xf32>
      %mul3A_929 = arith.mulf %sub3A_916, %sub3A_916 : vector<16xf32>
      %mul3A_930 = arith.mulf %sub3A_917, %sub3A_917 : vector<16xf32>
      %add3A_931 = arith.addf %mul3A_929, %mul3A_930 : vector<16xf32>
      %mul3A_932 = arith.mulf %sub3A_918, %sub3A_918 : vector<16xf32>
      %add3A_933 = arith.addf %add3A_931, %mul3A_932 : vector<16xf32>
      %mul3A_934 = arith.mulf %add3A_928, %add3A_933 : vector<16xf32>
      %max3A_935 = arith.constant 1.000000e-30 : f32
      %max3A_936 = vector.broadcast %max3A_935 : f32 to vector<16xf32>
      %max3A_937 = arith.maximumf %mul3A_934, %max3A_936 : vector<16xf32>
      %bitcast3A_938 = vector.bitcast %max3A_937 : vector<16xf32> to vector<16xi32>
      %shift_right_logical3A_939 = arith.constant 1 : i32
      %shift_right_logical3A_940 = vector.broadcast %shift_right_logical3A_939 : i32 to vector<16xi32>
      %shift_right_logical3A_941 = arith.shrui %bitcast3A_938, %shift_right_logical3A_940 : vector<16xi32>
      %sub3A_942 = arith.constant 1597463007 : i32
      %sub3A_943 = vector.broadcast %sub3A_942 : i32 to vector<16xi32>
      %sub3A_944 = arith.subi %sub3A_943, %shift_right_logical3A_941 : vector<16xi32>
      %bitcast3A_945 = vector.bitcast %sub3A_944 : vector<16xi32> to vector<16xf32>
      %mul3A_946 = arith.constant 5.000000e-01 : f32
      %mul3A_947 = vector.broadcast %mul3A_946 : f32 to vector<16xf32>
      %mul3A_948 = arith.mulf %mul3A_947, %max3A_937 : vector<16xf32>
      %mul3A_949 = arith.mulf %mul3A_948, %bitcast3A_945 : vector<16xf32>
      %mul3A_950 = arith.mulf %mul3A_949, %bitcast3A_945 : vector<16xf32>
      %sub3A_951 = arith.constant 1.500000e+00 : f32
      %sub3A_952 = vector.broadcast %sub3A_951 : f32 to vector<16xf32>
      %sub3A_953 = arith.subf %sub3A_952, %mul3A_950 : vector<16xf32>
      %mul3A_954 = arith.mulf %bitcast3A_945, %sub3A_953 : vector<16xf32>
      %mul3A_955 = arith.constant 5.000000e-01 : f32
      %mul3A_956 = vector.broadcast %mul3A_955 : f32 to vector<16xf32>
      %mul3A_957 = arith.mulf %mul3A_956, %max3A_937 : vector<16xf32>
      %mul3A_958 = arith.mulf %mul3A_957, %mul3A_954 : vector<16xf32>
      %mul3A_959 = arith.mulf %mul3A_958, %mul3A_954 : vector<16xf32>
      %sub3A_960 = arith.constant 1.500000e+00 : f32
      %sub3A_961 = vector.broadcast %sub3A_960 : f32 to vector<16xf32>
      %sub3A_962 = arith.subf %sub3A_961, %mul3A_959 : vector<16xf32>
      %mul3A_963 = arith.mulf %mul3A_954, %sub3A_962 : vector<16xf32>
      %mul3A_964 = arith.constant 5.000000e-01 : f32
      %mul3A_965 = vector.broadcast %mul3A_964 : f32 to vector<16xf32>
      %mul3A_966 = arith.mulf %mul3A_965, %max3A_937 : vector<16xf32>
      %mul3A_967 = arith.mulf %mul3A_966, %mul3A_963 : vector<16xf32>
      %mul3A_968 = arith.mulf %mul3A_967, %mul3A_963 : vector<16xf32>
      %sub3A_969 = arith.constant 1.500000e+00 : f32
      %sub3A_970 = vector.broadcast %sub3A_969 : f32 to vector<16xf32>
      %sub3A_971 = arith.subf %sub3A_970, %mul3A_968 : vector<16xf32>
      %mul3A_972 = arith.mulf %mul3A_963, %sub3A_971 : vector<16xf32>
      %mul3A_973 = arith.mulf %add3A_923, %mul3A_972 : vector<16xf32>
      %max3A_974 = arith.constant -1.000000e+00 : f32
      %max3A_975 = vector.broadcast %max3A_974 : f32 to vector<16xf32>
      %max3A_976 = arith.maximumf %mul3A_973, %max3A_975 : vector<16xf32>
      %min3A_977 = arith.constant 1.000000e+00 : f32
      %min3A_978 = vector.broadcast %min3A_977 : f32 to vector<16xf32>
      %min3A_979 = arith.minimumf %max3A_976, %min3A_978 : vector<16xf32>
      %abs3A_980 = math.absf %min3A_979 : vector<16xf32>
      %mul3A_981 = arith.constant -1.872930e-02 : f32
      %mul3A_982 = vector.broadcast %mul3A_981 : f32 to vector<16xf32>
      %mul3A_983 = arith.mulf %mul3A_982, %abs3A_980 : vector<16xf32>
      %add3A_984 = arith.constant 7.426100e-02 : f32
      %add3A_985 = vector.broadcast %add3A_984 : f32 to vector<16xf32>
      %add3A_986 = arith.addf %mul3A_983, %add3A_985 : vector<16xf32>
      %mul3A_987 = arith.mulf %add3A_986, %abs3A_980 : vector<16xf32>
      %add3A_988 = arith.constant -0.212114394 : f32
      %add3A_989 = vector.broadcast %add3A_988 : f32 to vector<16xf32>
      %add3A_990 = arith.addf %mul3A_987, %add3A_989 : vector<16xf32>
      %mul3A_991 = arith.mulf %add3A_990, %abs3A_980 : vector<16xf32>
      %add3A_992 = arith.constant 1.57072878 : f32
      %add3A_993 = vector.broadcast %add3A_992 : f32 to vector<16xf32>
      %add3A_994 = arith.addf %mul3A_991, %add3A_993 : vector<16xf32>
      %sub3A_995 = arith.constant 1.000000e+00 : f32
      %sub3A_996 = vector.broadcast %sub3A_995 : f32 to vector<16xf32>
      %sub3A_997 = arith.subf %sub3A_996, %abs3A_980 : vector<16xf32>
      %max3A_998 = arith.constant 1.000000e-30 : f32
      %max3A_999 = vector.broadcast %max3A_998 : f32 to vector<16xf32>
      %max3A_1000 = arith.maximumf %sub3A_997, %max3A_999 : vector<16xf32>
      %bitcast3A_1001 = vector.bitcast %max3A_1000 : vector<16xf32> to vector<16xi32>
      %shift_right_logical3A_1002 = arith.constant 1 : i32
      %shift_right_logical3A_1003 = vector.broadcast %shift_right_logical3A_1002 : i32 to vector<16xi32>
      %shift_right_logical3A_1004 = arith.shrui %bitcast3A_1001, %shift_right_logical3A_1003 : vector<16xi32>
      %sub3A_1005 = arith.constant 1597463007 : i32
      %sub3A_1006 = vector.broadcast %sub3A_1005 : i32 to vector<16xi32>
      %sub3A_1007 = arith.subi %sub3A_1006, %shift_right_logical3A_1004 : vector<16xi32>
      %bitcast3A_1008 = vector.bitcast %sub3A_1007 : vector<16xi32> to vector<16xf32>
      %mul3A_1009 = arith.constant 5.000000e-01 : f32
      %mul3A_1010 = vector.broadcast %mul3A_1009 : f32 to vector<16xf32>
      %mul3A_1011 = arith.mulf %mul3A_1010, %max3A_1000 : vector<16xf32>
      %mul3A_1012 = arith.mulf %mul3A_1011, %bitcast3A_1008 : vector<16xf32>
      %mul3A_1013 = arith.mulf %mul3A_1012, %bitcast3A_1008 : vector<16xf32>
      %sub3A_1014 = arith.constant 1.500000e+00 : f32
      %sub3A_1015 = vector.broadcast %sub3A_1014 : f32 to vector<16xf32>
      %sub3A_1016 = arith.subf %sub3A_1015, %mul3A_1013 : vector<16xf32>
      %mul3A_1017 = arith.mulf %bitcast3A_1008, %sub3A_1016 : vector<16xf32>
      %mul3A_1018 = arith.constant 5.000000e-01 : f32
      %mul3A_1019 = vector.broadcast %mul3A_1018 : f32 to vector<16xf32>
      %mul3A_1020 = arith.mulf %mul3A_1019, %max3A_1000 : vector<16xf32>
      %mul3A_1021 = arith.mulf %mul3A_1020, %mul3A_1017 : vector<16xf32>
      %mul3A_1022 = arith.mulf %mul3A_1021, %mul3A_1017 : vector<16xf32>
      %sub3A_1023 = arith.constant 1.500000e+00 : f32
      %sub3A_1024 = vector.broadcast %sub3A_1023 : f32 to vector<16xf32>
      %sub3A_1025 = arith.subf %sub3A_1024, %mul3A_1022 : vector<16xf32>
      %mul3A_1026 = arith.mulf %mul3A_1017, %sub3A_1025 : vector<16xf32>
      %mul3A_1027 = arith.constant 5.000000e-01 : f32
      %mul3A_1028 = vector.broadcast %mul3A_1027 : f32 to vector<16xf32>
      %mul3A_1029 = arith.mulf %mul3A_1028, %max3A_1000 : vector<16xf32>
      %mul3A_1030 = arith.mulf %mul3A_1029, %mul3A_1026 : vector<16xf32>
      %mul3A_1031 = arith.mulf %mul3A_1030, %mul3A_1026 : vector<16xf32>
      %sub3A_1032 = arith.constant 1.500000e+00 : f32
      %sub3A_1033 = vector.broadcast %sub3A_1032 : f32 to vector<16xf32>
      %sub3A_1034 = arith.subf %sub3A_1033, %mul3A_1031 : vector<16xf32>
      %mul3A_1035 = arith.mulf %mul3A_1026, %sub3A_1034 : vector<16xf32>
      %mul3A_1036 = arith.mulf %sub3A_997, %mul3A_1035 : vector<16xf32>
      %mul3A_1037 = arith.mulf %mul3A_1036, %add3A_994 : vector<16xf32>
      %ge3A_1038 = arith.constant 0.000000e+00 : f32
      %ge3A_1039 = vector.broadcast %ge3A_1038 : f32 to vector<16xf32>
      %ge3A_1040 = arith.cmpf oge, %min3A_979, %ge3A_1039 : vector<16xf32>
      %sub3A_1041 = arith.constant 3.14159274 : f32
      %sub3A_1042 = vector.broadcast %sub3A_1041 : f32 to vector<16xf32>
      %sub3A_1043 = arith.subf %sub3A_1042, %mul3A_1037 : vector<16xf32>
      %select_n3A_1044 = arith.select %ge3A_1040, %mul3A_1037, %sub3A_1043 : vector<16xi1>, vector<16xf32>
      %mul3A_1045 = arith.constant 128 : i32
      %mul3A_1046 = arith.muli %scan3A_24, %mul3A_1045 : i32
      %add3A_1047 = arith.constant 64 : i32
      %add3A_1048 = arith.addi %mul3A_1046, %add3A_1047 : i32
      %get3A_1049 = arith.index_cast %add3A_1048 : i32 to index
      %get3A_1050 = tpu.vector_load %arg17[%get3A_1049] {strides = array<i32>} : memref<6272xf32, #tpu.memory_space<vmem>>, vector<16xf32>,
      %get3A_1051 = arith.index_cast %add3A_1048 : i32 to index
      %get3A_1052 = tpu.vector_load %arg18[%get3A_1051] {strides = array<i32>} : memref<6272xf32, #tpu.memory_space<vmem>>, vector<16xf32>,
      %sub3A_1053 = arith.subf %select_n3A_1044, %get3A_1050 : vector<16xf32>
      %mul3A_1054 = arith.constant 2.200000e-08 : f32
      %mul3A_1055 = vector.broadcast %mul3A_1054 : f32 to vector<16xf32>
      %mul3A_1056 = arith.mulf %sub3A_1053, %mul3A_1055 : vector<16xf32>
      %add3A_1057 = arith.constant -6.99999987E-7 : f32
      %add3A_1058 = vector.broadcast %add3A_1057 : f32 to vector<16xf32>
      %add3A_1059 = arith.addf %add3A_1058, %mul3A_1056 : vector<16xf32>
      %mul3A_1060 = arith.mulf %sub3A_1053, %add3A_1059 : vector<16xf32>
      %add3A_1061 = arith.constant 5.600000e-05 : f32
      %add3A_1062 = vector.broadcast %add3A_1061 : f32 to vector<16xf32>
      %add3A_1063 = arith.addf %add3A_1062, %mul3A_1060 : vector<16xf32>
      %mul3A_1064 = arith.mulf %sub3A_1053, %add3A_1063 : vector<16xf32>
      %add3A_1065 = arith.constant -1.400000e-02 : f32
      %add3A_1066 = vector.broadcast %add3A_1065 : f32 to vector<16xf32>
      %add3A_1067 = arith.addf %add3A_1066, %mul3A_1064 : vector<16xf32>
      %mul3A_1068 = arith.mulf %sub3A_1053, %add3A_1067 : vector<16xf32>
      %add3A_1069 = arith.constant 1.000000e+00 : f32
      %add3A_1070 = vector.broadcast %add3A_1069 : f32 to vector<16xf32>
      %add3A_1071 = arith.addf %add3A_1070, %mul3A_1068 : vector<16xf32>
      %mul3A_1072 = arith.mulf %sub3A_1053, %sub3A_1053 : vector<16xf32>
      %mul3A_1073 = arith.mulf %get3A_1052, %mul3A_1072 : vector<16xf32>
      %mul3A_1074 = arith.mulf %mul3A_1073, %add3A_1071 : vector<16xf32>
      %add3A_1075 = arith.addf %add3A_894, %mul3A_1074 : vector<16xf32>
      %get3A_1076 = arith.constant 80 : index
      %get3A_1077 = tpu.vector_load %arg22[%get3A_1076] {strides = array<i32>} : memref<128xf32, #tpu.memory_space<vmem>>, vector<16xf32>,
      %get3A_1078 = arith.constant 80 : index
      %get3A_1079 = tpu.vector_load %arg23[%get3A_1078] {strides = array<i32>} : memref<128xf32, #tpu.memory_space<vmem>>, vector<16xf32>,
      %get3A_1080 = arith.constant 80 : index
      %get3A_1081 = tpu.vector_load %arg24[%get3A_1080] {strides = array<i32>} : memref<128xf32, #tpu.memory_space<vmem>>, vector<16xf32>,
      %get3A_1082 = arith.constant 80 : index
      %get3A_1083 = tpu.vector_load %arg25[%get3A_1082] {strides = array<i32>} : memref<128xf32, #tpu.memory_space<vmem>>, vector<16xf32>,
      %get3A_1084 = arith.constant 80 : index
      %get3A_1085 = tpu.vector_load %arg26[%get3A_1084] {strides = array<i32>} : memref<128xf32, #tpu.memory_space<vmem>>, vector<16xf32>,
      %get3A_1086 = arith.constant 80 : index
      %get3A_1087 = tpu.vector_load %arg27[%get3A_1086] {strides = array<i32>} : memref<128xf32, #tpu.memory_space<vmem>>, vector<16xf32>,
      %get3A_1088 = arith.constant 80 : index
      %get3A_1089 = tpu.vector_load %arg28[%get3A_1088] {strides = array<i32>} : memref<128xf32, #tpu.memory_space<vmem>>, vector<16xf32>,
      %get3A_1090 = arith.constant 80 : index
      %get3A_1091 = tpu.vector_load %arg29[%get3A_1090] {strides = array<i32>} : memref<128xf32, #tpu.memory_space<vmem>>, vector<16xf32>,
      %get3A_1092 = arith.constant 80 : index
      %get3A_1093 = tpu.vector_load %arg30[%get3A_1092] {strides = array<i32>} : memref<128xf32, #tpu.memory_space<vmem>>, vector<16xf32>,
      %sub3A_1094 = arith.subf %get3A_1077, %get3A_1083 : vector<16xf32>
      %sub3A_1095 = arith.subf %get3A_1079, %get3A_1085 : vector<16xf32>
      %sub3A_1096 = arith.subf %get3A_1081, %get3A_1087 : vector<16xf32>
      %sub3A_1097 = arith.subf %get3A_1089, %get3A_1083 : vector<16xf32>
      %sub3A_1098 = arith.subf %get3A_1091, %get3A_1085 : vector<16xf32>
      %sub3A_1099 = arith.subf %get3A_1093, %get3A_1087 : vector<16xf32>
      %mul3A_1100 = arith.mulf %sub3A_1094, %sub3A_1097 : vector<16xf32>
      %mul3A_1101 = arith.mulf %sub3A_1095, %sub3A_1098 : vector<16xf32>
      %add3A_1102 = arith.addf %mul3A_1100, %mul3A_1101 : vector<16xf32>
      %mul3A_1103 = arith.mulf %sub3A_1096, %sub3A_1099 : vector<16xf32>
      %add3A_1104 = arith.addf %add3A_1102, %mul3A_1103 : vector<16xf32>
      %mul3A_1105 = arith.mulf %sub3A_1094, %sub3A_1094 : vector<16xf32>
      %mul3A_1106 = arith.mulf %sub3A_1095, %sub3A_1095 : vector<16xf32>
      %add3A_1107 = arith.addf %mul3A_1105, %mul3A_1106 : vector<16xf32>
      %mul3A_1108 = arith.mulf %sub3A_1096, %sub3A_1096 : vector<16xf32>
      %add3A_1109 = arith.addf %add3A_1107, %mul3A_1108 : vector<16xf32>
      %mul3A_1110 = arith.mulf %sub3A_1097, %sub3A_1097 : vector<16xf32>
      %mul3A_1111 = arith.mulf %sub3A_1098, %sub3A_1098 : vector<16xf32>
      %add3A_1112 = arith.addf %mul3A_1110, %mul3A_1111 : vector<16xf32>
      %mul3A_1113 = arith.mulf %sub3A_1099, %sub3A_1099 : vector<16xf32>
      %add3A_1114 = arith.addf %add3A_1112, %mul3A_1113 : vector<16xf32>
      %mul3A_1115 = arith.mulf %add3A_1109, %add3A_1114 : vector<16xf32>
      %max3A_1116 = arith.constant 1.000000e-30 : f32
      %max3A_1117 = vector.broadcast %max3A_1116 : f32 to vector<16xf32>
      %max3A_1118 = arith.maximumf %mul3A_1115, %max3A_1117 : vector<16xf32>
      %bitcast3A_1119 = vector.bitcast %max3A_1118 : vector<16xf32> to vector<16xi32>
      %shift_right_logical3A_1120 = arith.constant 1 : i32
      %shift_right_logical3A_1121 = vector.broadcast %shift_right_logical3A_1120 : i32 to vector<16xi32>
      %shift_right_logical3A_1122 = arith.shrui %bitcast3A_1119, %shift_right_logical3A_1121 : vector<16xi32>
      %sub3A_1123 = arith.constant 1597463007 : i32
      %sub3A_1124 = vector.broadcast %sub3A_1123 : i32 to vector<16xi32>
      %sub3A_1125 = arith.subi %sub3A_1124, %shift_right_logical3A_1122 : vector<16xi32>
      %bitcast3A_1126 = vector.bitcast %sub3A_1125 : vector<16xi32> to vector<16xf32>
      %mul3A_1127 = arith.constant 5.000000e-01 : f32
      %mul3A_1128 = vector.broadcast %mul3A_1127 : f32 to vector<16xf32>
      %mul3A_1129 = arith.mulf %mul3A_1128, %max3A_1118 : vector<16xf32>
      %mul3A_1130 = arith.mulf %mul3A_1129, %bitcast3A_1126 : vector<16xf32>
      %mul3A_1131 = arith.mulf %mul3A_1130, %bitcast3A_1126 : vector<16xf32>
      %sub3A_1132 = arith.constant 1.500000e+00 : f32
      %sub3A_1133 = vector.broadcast %sub3A_1132 : f32 to vector<16xf32>
      %sub3A_1134 = arith.subf %sub3A_1133, %mul3A_1131 : vector<16xf32>
      %mul3A_1135 = arith.mulf %bitcast3A_1126, %sub3A_1134 : vector<16xf32>
      %mul3A_1136 = arith.constant 5.000000e-01 : f32
      %mul3A_1137 = vector.broadcast %mul3A_1136 : f32 to vector<16xf32>
      %mul3A_1138 = arith.mulf %mul3A_1137, %max3A_1118 : vector<16xf32>
      %mul3A_1139 = arith.mulf %mul3A_1138, %mul3A_1135 : vector<16xf32>
      %mul3A_1140 = arith.mulf %mul3A_1139, %mul3A_1135 : vector<16xf32>
      %sub3A_1141 = arith.constant 1.500000e+00 : f32
      %sub3A_1142 = vector.broadcast %sub3A_1141 : f32 to vector<16xf32>
      %sub3A_1143 = arith.subf %sub3A_1142, %mul3A_1140 : vector<16xf32>
      %mul3A_1144 = arith.mulf %mul3A_1135, %sub3A_1143 : vector<16xf32>
      %mul3A_1145 = arith.constant 5.000000e-01 : f32
      %mul3A_1146 = vector.broadcast %mul3A_1145 : f32 to vector<16xf32>
      %mul3A_1147 = arith.mulf %mul3A_1146, %max3A_1118 : vector<16xf32>
      %mul3A_1148 = arith.mulf %mul3A_1147, %mul3A_1144 : vector<16xf32>
      %mul3A_1149 = arith.mulf %mul3A_1148, %mul3A_1144 : vector<16xf32>
      %sub3A_1150 = arith.constant 1.500000e+00 : f32
      %sub3A_1151 = vector.broadcast %sub3A_1150 : f32 to vector<16xf32>
      %sub3A_1152 = arith.subf %sub3A_1151, %mul3A_1149 : vector<16xf32>
      %mul3A_1153 = arith.mulf %mul3A_1144, %sub3A_1152 : vector<16xf32>
      %mul3A_1154 = arith.mulf %add3A_1104, %mul3A_1153 : vector<16xf32>
      %max3A_1155 = arith.constant -1.000000e+00 : f32
      %max3A_1156 = vector.broadcast %max3A_1155 : f32 to vector<16xf32>
      %max3A_1157 = arith.maximumf %mul3A_1154, %max3A_1156 : vector<16xf32>
      %min3A_1158 = arith.constant 1.000000e+00 : f32
      %min3A_1159 = vector.broadcast %min3A_1158 : f32 to vector<16xf32>
      %min3A_1160 = arith.minimumf %max3A_1157, %min3A_1159 : vector<16xf32>
      %abs3A_1161 = math.absf %min3A_1160 : vector<16xf32>
      %mul3A_1162 = arith.constant -1.872930e-02 : f32
      %mul3A_1163 = vector.broadcast %mul3A_1162 : f32 to vector<16xf32>
      %mul3A_1164 = arith.mulf %mul3A_1163, %abs3A_1161 : vector<16xf32>
      %add3A_1165 = arith.constant 7.426100e-02 : f32
      %add3A_1166 = vector.broadcast %add3A_1165 : f32 to vector<16xf32>
      %add3A_1167 = arith.addf %mul3A_1164, %add3A_1166 : vector<16xf32>
      %mul3A_1168 = arith.mulf %add3A_1167, %abs3A_1161 : vector<16xf32>
      %add3A_1169 = arith.constant -0.212114394 : f32
      %add3A_1170 = vector.broadcast %add3A_1169 : f32 to vector<16xf32>
      %add3A_1171 = arith.addf %mul3A_1168, %add3A_1170 : vector<16xf32>
      %mul3A_1172 = arith.mulf %add3A_1171, %abs3A_1161 : vector<16xf32>
      %add3A_1173 = arith.constant 1.57072878 : f32
      %add3A_1174 = vector.broadcast %add3A_1173 : f32 to vector<16xf32>
      %add3A_1175 = arith.addf %mul3A_1172, %add3A_1174 : vector<16xf32>
      %sub3A_1176 = arith.constant 1.000000e+00 : f32
      %sub3A_1177 = vector.broadcast %sub3A_1176 : f32 to vector<16xf32>
      %sub3A_1178 = arith.subf %sub3A_1177, %abs3A_1161 : vector<16xf32>
      %max3A_1179 = arith.constant 1.000000e-30 : f32
      %max3A_1180 = vector.broadcast %max3A_1179 : f32 to vector<16xf32>
      %max3A_1181 = arith.maximumf %sub3A_1178, %max3A_1180 : vector<16xf32>
      %bitcast3A_1182 = vector.bitcast %max3A_1181 : vector<16xf32> to vector<16xi32>
      %shift_right_logical3A_1183 = arith.constant 1 : i32
      %shift_right_logical3A_1184 = vector.broadcast %shift_right_logical3A_1183 : i32 to vector<16xi32>
      %shift_right_logical3A_1185 = arith.shrui %bitcast3A_1182, %shift_right_logical3A_1184 : vector<16xi32>
      %sub3A_1186 = arith.constant 1597463007 : i32
      %sub3A_1187 = vector.broadcast %sub3A_1186 : i32 to vector<16xi32>
      %sub3A_1188 = arith.subi %sub3A_1187, %shift_right_logical3A_1185 : vector<16xi32>
      %bitcast3A_1189 = vector.bitcast %sub3A_1188 : vector<16xi32> to vector<16xf32>
      %mul3A_1190 = arith.constant 5.000000e-01 : f32
      %mul3A_1191 = vector.broadcast %mul3A_1190 : f32 to vector<16xf32>
      %mul3A_1192 = arith.mulf %mul3A_1191, %max3A_1181 : vector<16xf32>
      %mul3A_1193 = arith.mulf %mul3A_1192, %bitcast3A_1189 : vector<16xf32>
      %mul3A_1194 = arith.mulf %mul3A_1193, %bitcast3A_1189 : vector<16xf32>
      %sub3A_1195 = arith.constant 1.500000e+00 : f32
      %sub3A_1196 = vector.broadcast %sub3A_1195 : f32 to vector<16xf32>
      %sub3A_1197 = arith.subf %sub3A_1196, %mul3A_1194 : vector<16xf32>
      %mul3A_1198 = arith.mulf %bitcast3A_1189, %sub3A_1197 : vector<16xf32>
      %mul3A_1199 = arith.constant 5.000000e-01 : f32
      %mul3A_1200 = vector.broadcast %mul3A_1199 : f32 to vector<16xf32>
      %mul3A_1201 = arith.mulf %mul3A_1200, %max3A_1181 : vector<16xf32>
      %mul3A_1202 = arith.mulf %mul3A_1201, %mul3A_1198 : vector<16xf32>
      %mul3A_1203 = arith.mulf %mul3A_1202, %mul3A_1198 : vector<16xf32>
      %sub3A_1204 = arith.constant 1.500000e+00 : f32
      %sub3A_1205 = vector.broadcast %sub3A_1204 : f32 to vector<16xf32>
      %sub3A_1206 = arith.subf %sub3A_1205, %mul3A_1203 : vector<16xf32>
      %mul3A_1207 = arith.mulf %mul3A_1198, %sub3A_1206 : vector<16xf32>
      %mul3A_1208 = arith.constant 5.000000e-01 : f32
      %mul3A_1209 = vector.broadcast %mul3A_1208 : f32 to vector<16xf32>
      %mul3A_1210 = arith.mulf %mul3A_1209, %max3A_1181 : vector<16xf32>
      %mul3A_1211 = arith.mulf %mul3A_1210, %mul3A_1207 : vector<16xf32>
      %mul3A_1212 = arith.mulf %mul3A_1211, %mul3A_1207 : vector<16xf32>
      %sub3A_1213 = arith.constant 1.500000e+00 : f32
      %sub3A_1214 = vector.broadcast %sub3A_1213 : f32 to vector<16xf32>
      %sub3A_1215 = arith.subf %sub3A_1214, %mul3A_1212 : vector<16xf32>
      %mul3A_1216 = arith.mulf %mul3A_1207, %sub3A_1215 : vector<16xf32>
      %mul3A_1217 = arith.mulf %sub3A_1178, %mul3A_1216 : vector<16xf32>
      %mul3A_1218 = arith.mulf %mul3A_1217, %add3A_1175 : vector<16xf32>
      %ge3A_1219 = arith.constant 0.000000e+00 : f32
      %ge3A_1220 = vector.broadcast %ge3A_1219 : f32 to vector<16xf32>
      %ge3A_1221 = arith.cmpf oge, %min3A_1160, %ge3A_1220 : vector<16xf32>
      %sub3A_1222 = arith.constant 3.14159274 : f32
      %sub3A_1223 = vector.broadcast %sub3A_1222 : f32 to vector<16xf32>
      %sub3A_1224 = arith.subf %sub3A_1223, %mul3A_1218 : vector<16xf32>
      %select_n3A_1225 = arith.select %ge3A_1221, %mul3A_1218, %sub3A_1224 : vector<16xi1>, vector<16xf32>
      %mul3A_1226 = arith.constant 128 : i32
      %mul3A_1227 = arith.muli %scan3A_24, %mul3A_1226 : i32
      %add3A_1228 = arith.constant 80 : i32
      %add3A_1229 = arith.addi %mul3A_1227, %add3A_1228 : i32
      %get3A_1230 = arith.index_cast %add3A_1229 : i32 to index
      %get3A_1231 = tpu.vector_load %arg17[%get3A_1230] {strides = array<i32>} : memref<6272xf32, #tpu.memory_space<vmem>>, vector<16xf32>,
      %get3A_1232 = arith.index_cast %add3A_1229 : i32 to index
      %get3A_1233 = tpu.vector_load %arg18[%get3A_1232] {strides = array<i32>} : memref<6272xf32, #tpu.memory_space<vmem>>, vector<16xf32>,
      %sub3A_1234 = arith.subf %select_n3A_1225, %get3A_1231 : vector<16xf32>
      %mul3A_1235 = arith.constant 2.200000e-08 : f32
      %mul3A_1236 = vector.broadcast %mul3A_1235 : f32 to vector<16xf32>
      %mul3A_1237 = arith.mulf %sub3A_1234, %mul3A_1236 : vector<16xf32>
      %add3A_1238 = arith.constant -6.99999987E-7 : f32
      %add3A_1239 = vector.broadcast %add3A_1238 : f32 to vector<16xf32>
      %add3A_1240 = arith.addf %add3A_1239, %mul3A_1237 : vector<16xf32>
      %mul3A_1241 = arith.mulf %sub3A_1234, %add3A_1240 : vector<16xf32>
      %add3A_1242 = arith.constant 5.600000e-05 : f32
      %add3A_1243 = vector.broadcast %add3A_1242 : f32 to vector<16xf32>
      %add3A_1244 = arith.addf %add3A_1243, %mul3A_1241 : vector<16xf32>
      %mul3A_1245 = arith.mulf %sub3A_1234, %add3A_1244 : vector<16xf32>
      %add3A_1246 = arith.constant -1.400000e-02 : f32
      %add3A_1247 = vector.broadcast %add3A_1246 : f32 to vector<16xf32>
      %add3A_1248 = arith.addf %add3A_1247, %mul3A_1245 : vector<16xf32>
      %mul3A_1249 = arith.mulf %sub3A_1234, %add3A_1248 : vector<16xf32>
      %add3A_1250 = arith.constant 1.000000e+00 : f32
      %add3A_1251 = vector.broadcast %add3A_1250 : f32 to vector<16xf32>
      %add3A_1252 = arith.addf %add3A_1251, %mul3A_1249 : vector<16xf32>
      %mul3A_1253 = arith.mulf %sub3A_1234, %sub3A_1234 : vector<16xf32>
      %mul3A_1254 = arith.mulf %get3A_1233, %mul3A_1253 : vector<16xf32>
      %mul3A_1255 = arith.mulf %mul3A_1254, %add3A_1252 : vector<16xf32>
      %add3A_1256 = arith.addf %add3A_1075, %mul3A_1255 : vector<16xf32>
      %get3A_1257 = arith.constant 96 : index
      %get3A_1258 = tpu.vector_load %arg22[%get3A_1257] {strides = array<i32>} : memref<128xf32, #tpu.memory_space<vmem>>, vector<16xf32>,
      %get3A_1259 = arith.constant 96 : index
      %get3A_1260 = tpu.vector_load %arg23[%get3A_1259] {strides = array<i32>} : memref<128xf32, #tpu.memory_space<vmem>>, vector<16xf32>,
      %get3A_1261 = arith.constant 96 : index
      %get3A_1262 = tpu.vector_load %arg24[%get3A_1261] {strides = array<i32>} : memref<128xf32, #tpu.memory_space<vmem>>, vector<16xf32>,
      %get3A_1263 = arith.constant 96 : index
      %get3A_1264 = tpu.vector_load %arg25[%get3A_1263] {strides = array<i32>} : memref<128xf32, #tpu.memory_space<vmem>>, vector<16xf32>,
      %get3A_1265 = arith.constant 96 : index
      %get3A_1266 = tpu.vector_load %arg26[%get3A_1265] {strides = array<i32>} : memref<128xf32, #tpu.memory_space<vmem>>, vector<16xf32>,
      %get3A_1267 = arith.constant 96 : index
      %get3A_1268 = tpu.vector_load %arg27[%get3A_1267] {strides = array<i32>} : memref<128xf32, #tpu.memory_space<vmem>>, vector<16xf32>,
      %get3A_1269 = arith.constant 96 : index
      %get3A_1270 = tpu.vector_load %arg28[%get3A_1269] {strides = array<i32>} : memref<128xf32, #tpu.memory_space<vmem>>, vector<16xf32>,
      %get3A_1271 = arith.constant 96 : index
      %get3A_1272 = tpu.vector_load %arg29[%get3A_1271] {strides = array<i32>} : memref<128xf32, #tpu.memory_space<vmem>>, vector<16xf32>,
      %get3A_1273 = arith.constant 96 : index
      %get3A_1274 = tpu.vector_load %arg30[%get3A_1273] {strides = array<i32>} : memref<128xf32, #tpu.memory_space<vmem>>, vector<16xf32>,
      %sub3A_1275 = arith.subf %get3A_1258, %get3A_1264 : vector<16xf32>
      %sub3A_1276 = arith.subf %get3A_1260, %get3A_1266 : vector<16xf32>
      %sub3A_1277 = arith.subf %get3A_1262, %get3A_1268 : vector<16xf32>
      %sub3A_1278 = arith.subf %get3A_1270, %get3A_1264 : vector<16xf32>
      %sub3A_1279 = arith.subf %get3A_1272, %get3A_1266 : vector<16xf32>
      %sub3A_1280 = arith.subf %get3A_1274, %get3A_1268 : vector<16xf32>
      %mul3A_1281 = arith.mulf %sub3A_1275, %sub3A_1278 : vector<16xf32>
      %mul3A_1282 = arith.mulf %sub3A_1276, %sub3A_1279 : vector<16xf32>
      %add3A_1283 = arith.addf %mul3A_1281, %mul3A_1282 : vector<16xf32>
      %mul3A_1284 = arith.mulf %sub3A_1277, %sub3A_1280 : vector<16xf32>
      %add3A_1285 = arith.addf %add3A_1283, %mul3A_1284 : vector<16xf32>
      %mul3A_1286 = arith.mulf %sub3A_1275, %sub3A_1275 : vector<16xf32>
      %mul3A_1287 = arith.mulf %sub3A_1276, %sub3A_1276 : vector<16xf32>
      %add3A_1288 = arith.addf %mul3A_1286, %mul3A_1287 : vector<16xf32>
      %mul3A_1289 = arith.mulf %sub3A_1277, %sub3A_1277 : vector<16xf32>
      %add3A_1290 = arith.addf %add3A_1288, %mul3A_1289 : vector<16xf32>
      %mul3A_1291 = arith.mulf %sub3A_1278, %sub3A_1278 : vector<16xf32>
      %mul3A_1292 = arith.mulf %sub3A_1279, %sub3A_1279 : vector<16xf32>
      %add3A_1293 = arith.addf %mul3A_1291, %mul3A_1292 : vector<16xf32>
      %mul3A_1294 = arith.mulf %sub3A_1280, %sub3A_1280 : vector<16xf32>
      %add3A_1295 = arith.addf %add3A_1293, %mul3A_1294 : vector<16xf32>
      %mul3A_1296 = arith.mulf %add3A_1290, %add3A_1295 : vector<16xf32>
      %max3A_1297 = arith.constant 1.000000e-30 : f32
      %max3A_1298 = vector.broadcast %max3A_1297 : f32 to vector<16xf32>
      %max3A_1299 = arith.maximumf %mul3A_1296, %max3A_1298 : vector<16xf32>
      %bitcast3A_1300 = vector.bitcast %max3A_1299 : vector<16xf32> to vector<16xi32>
      %shift_right_logical3A_1301 = arith.constant 1 : i32
      %shift_right_logical3A_1302 = vector.broadcast %shift_right_logical3A_1301 : i32 to vector<16xi32>
      %shift_right_logical3A_1303 = arith.shrui %bitcast3A_1300, %shift_right_logical3A_1302 : vector<16xi32>
      %sub3A_1304 = arith.constant 1597463007 : i32
      %sub3A_1305 = vector.broadcast %sub3A_1304 : i32 to vector<16xi32>
      %sub3A_1306 = arith.subi %sub3A_1305, %shift_right_logical3A_1303 : vector<16xi32>
      %bitcast3A_1307 = vector.bitcast %sub3A_1306 : vector<16xi32> to vector<16xf32>
      %mul3A_1308 = arith.constant 5.000000e-01 : f32
      %mul3A_1309 = vector.broadcast %mul3A_1308 : f32 to vector<16xf32>
      %mul3A_1310 = arith.mulf %mul3A_1309, %max3A_1299 : vector<16xf32>
      %mul3A_1311 = arith.mulf %mul3A_1310, %bitcast3A_1307 : vector<16xf32>
      %mul3A_1312 = arith.mulf %mul3A_1311, %bitcast3A_1307 : vector<16xf32>
      %sub3A_1313 = arith.constant 1.500000e+00 : f32
      %sub3A_1314 = vector.broadcast %sub3A_1313 : f32 to vector<16xf32>
      %sub3A_1315 = arith.subf %sub3A_1314, %mul3A_1312 : vector<16xf32>
      %mul3A_1316 = arith.mulf %bitcast3A_1307, %sub3A_1315 : vector<16xf32>
      %mul3A_1317 = arith.constant 5.000000e-01 : f32
      %mul3A_1318 = vector.broadcast %mul3A_1317 : f32 to vector<16xf32>
      %mul3A_1319 = arith.mulf %mul3A_1318, %max3A_1299 : vector<16xf32>
      %mul3A_1320 = arith.mulf %mul3A_1319, %mul3A_1316 : vector<16xf32>
      %mul3A_1321 = arith.mulf %mul3A_1320, %mul3A_1316 : vector<16xf32>
      %sub3A_1322 = arith.constant 1.500000e+00 : f32
      %sub3A_1323 = vector.broadcast %sub3A_1322 : f32 to vector<16xf32>
      %sub3A_1324 = arith.subf %sub3A_1323, %mul3A_1321 : vector<16xf32>
      %mul3A_1325 = arith.mulf %mul3A_1316, %sub3A_1324 : vector<16xf32>
      %mul3A_1326 = arith.constant 5.000000e-01 : f32
      %mul3A_1327 = vector.broadcast %mul3A_1326 : f32 to vector<16xf32>
      %mul3A_1328 = arith.mulf %mul3A_1327, %max3A_1299 : vector<16xf32>
      %mul3A_1329 = arith.mulf %mul3A_1328, %mul3A_1325 : vector<16xf32>
      %mul3A_1330 = arith.mulf %mul3A_1329, %mul3A_1325 : vector<16xf32>
      %sub3A_1331 = arith.constant 1.500000e+00 : f32
      %sub3A_1332 = vector.broadcast %sub3A_1331 : f32 to vector<16xf32>
      %sub3A_1333 = arith.subf %sub3A_1332, %mul3A_1330 : vector<16xf32>
      %mul3A_1334 = arith.mulf %mul3A_1325, %sub3A_1333 : vector<16xf32>
      %mul3A_1335 = arith.mulf %add3A_1285, %mul3A_1334 : vector<16xf32>
      %max3A_1336 = arith.constant -1.000000e+00 : f32
      %max3A_1337 = vector.broadcast %max3A_1336 : f32 to vector<16xf32>
      %max3A_1338 = arith.maximumf %mul3A_1335, %max3A_1337 : vector<16xf32>
      %min3A_1339 = arith.constant 1.000000e+00 : f32
      %min3A_1340 = vector.broadcast %min3A_1339 : f32 to vector<16xf32>
      %min3A_1341 = arith.minimumf %max3A_1338, %min3A_1340 : vector<16xf32>
      %abs3A_1342 = math.absf %min3A_1341 : vector<16xf32>
      %mul3A_1343 = arith.constant -1.872930e-02 : f32
      %mul3A_1344 = vector.broadcast %mul3A_1343 : f32 to vector<16xf32>
      %mul3A_1345 = arith.mulf %mul3A_1344, %abs3A_1342 : vector<16xf32>
      %add3A_1346 = arith.constant 7.426100e-02 : f32
      %add3A_1347 = vector.broadcast %add3A_1346 : f32 to vector<16xf32>
      %add3A_1348 = arith.addf %mul3A_1345, %add3A_1347 : vector<16xf32>
      %mul3A_1349 = arith.mulf %add3A_1348, %abs3A_1342 : vector<16xf32>
      %add3A_1350 = arith.constant -0.212114394 : f32
      %add3A_1351 = vector.broadcast %add3A_1350 : f32 to vector<16xf32>
      %add3A_1352 = arith.addf %mul3A_1349, %add3A_1351 : vector<16xf32>
      %mul3A_1353 = arith.mulf %add3A_1352, %abs3A_1342 : vector<16xf32>
      %add3A_1354 = arith.constant 1.57072878 : f32
      %add3A_1355 = vector.broadcast %add3A_1354 : f32 to vector<16xf32>
      %add3A_1356 = arith.addf %mul3A_1353, %add3A_1355 : vector<16xf32>
      %sub3A_1357 = arith.constant 1.000000e+00 : f32
      %sub3A_1358 = vector.broadcast %sub3A_1357 : f32 to vector<16xf32>
      %sub3A_1359 = arith.subf %sub3A_1358, %abs3A_1342 : vector<16xf32>
      %max3A_1360 = arith.constant 1.000000e-30 : f32
      %max3A_1361 = vector.broadcast %max3A_1360 : f32 to vector<16xf32>
      %max3A_1362 = arith.maximumf %sub3A_1359, %max3A_1361 : vector<16xf32>
      %bitcast3A_1363 = vector.bitcast %max3A_1362 : vector<16xf32> to vector<16xi32>
      %shift_right_logical3A_1364 = arith.constant 1 : i32
      %shift_right_logical3A_1365 = vector.broadcast %shift_right_logical3A_1364 : i32 to vector<16xi32>
      %shift_right_logical3A_1366 = arith.shrui %bitcast3A_1363, %shift_right_logical3A_1365 : vector<16xi32>
      %sub3A_1367 = arith.constant 1597463007 : i32
      %sub3A_1368 = vector.broadcast %sub3A_1367 : i32 to vector<16xi32>
      %sub3A_1369 = arith.subi %sub3A_1368, %shift_right_logical3A_1366 : vector<16xi32>
      %bitcast3A_1370 = vector.bitcast %sub3A_1369 : vector<16xi32> to vector<16xf32>
      %mul3A_1371 = arith.constant 5.000000e-01 : f32
      %mul3A_1372 = vector.broadcast %mul3A_1371 : f32 to vector<16xf32>
      %mul3A_1373 = arith.mulf %mul3A_1372, %max3A_1362 : vector<16xf32>
      %mul3A_1374 = arith.mulf %mul3A_1373, %bitcast3A_1370 : vector<16xf32>
      %mul3A_1375 = arith.mulf %mul3A_1374, %bitcast3A_1370 : vector<16xf32>
      %sub3A_1376 = arith.constant 1.500000e+00 : f32
      %sub3A_1377 = vector.broadcast %sub3A_1376 : f32 to vector<16xf32>
      %sub3A_1378 = arith.subf %sub3A_1377, %mul3A_1375 : vector<16xf32>
      %mul3A_1379 = arith.mulf %bitcast3A_1370, %sub3A_1378 : vector<16xf32>
      %mul3A_1380 = arith.constant 5.000000e-01 : f32
      %mul3A_1381 = vector.broadcast %mul3A_1380 : f32 to vector<16xf32>
      %mul3A_1382 = arith.mulf %mul3A_1381, %max3A_1362 : vector<16xf32>
      %mul3A_1383 = arith.mulf %mul3A_1382, %mul3A_1379 : vector<16xf32>
      %mul3A_1384 = arith.mulf %mul3A_1383, %mul3A_1379 : vector<16xf32>
      %sub3A_1385 = arith.constant 1.500000e+00 : f32
      %sub3A_1386 = vector.broadcast %sub3A_1385 : f32 to vector<16xf32>
      %sub3A_1387 = arith.subf %sub3A_1386, %mul3A_1384 : vector<16xf32>
      %mul3A_1388 = arith.mulf %mul3A_1379, %sub3A_1387 : vector<16xf32>
      %mul3A_1389 = arith.constant 5.000000e-01 : f32
      %mul3A_1390 = vector.broadcast %mul3A_1389 : f32 to vector<16xf32>
      %mul3A_1391 = arith.mulf %mul3A_1390, %max3A_1362 : vector<16xf32>
      %mul3A_1392 = arith.mulf %mul3A_1391, %mul3A_1388 : vector<16xf32>
      %mul3A_1393 = arith.mulf %mul3A_1392, %mul3A_1388 : vector<16xf32>
      %sub3A_1394 = arith.constant 1.500000e+00 : f32
      %sub3A_1395 = vector.broadcast %sub3A_1394 : f32 to vector<16xf32>
      %sub3A_1396 = arith.subf %sub3A_1395, %mul3A_1393 : vector<16xf32>
      %mul3A_1397 = arith.mulf %mul3A_1388, %sub3A_1396 : vector<16xf32>
      %mul3A_1398 = arith.mulf %sub3A_1359, %mul3A_1397 : vector<16xf32>
      %mul3A_1399 = arith.mulf %mul3A_1398, %add3A_1356 : vector<16xf32>
      %ge3A_1400 = arith.constant 0.000000e+00 : f32
      %ge3A_1401 = vector.broadcast %ge3A_1400 : f32 to vector<16xf32>
      %ge3A_1402 = arith.cmpf oge, %min3A_1341, %ge3A_1401 : vector<16xf32>
      %sub3A_1403 = arith.constant 3.14159274 : f32
      %sub3A_1404 = vector.broadcast %sub3A_1403 : f32 to vector<16xf32>
      %sub3A_1405 = arith.subf %sub3A_1404, %mul3A_1399 : vector<16xf32>
      %select_n3A_1406 = arith.select %ge3A_1402, %mul3A_1399, %sub3A_1405 : vector<16xi1>, vector<16xf32>
      %mul3A_1407 = arith.constant 128 : i32
      %mul3A_1408 = arith.muli %scan3A_24, %mul3A_1407 : i32
      %add3A_1409 = arith.constant 96 : i32
      %add3A_1410 = arith.addi %mul3A_1408, %add3A_1409 : i32
      %get3A_1411 = arith.index_cast %add3A_1410 : i32 to index
      %get3A_1412 = tpu.vector_load %arg17[%get3A_1411] {strides = array<i32>} : memref<6272xf32, #tpu.memory_space<vmem>>, vector<16xf32>,
      %get3A_1413 = arith.index_cast %add3A_1410 : i32 to index
      %get3A_1414 = tpu.vector_load %arg18[%get3A_1413] {strides = array<i32>} : memref<6272xf32, #tpu.memory_space<vmem>>, vector<16xf32>,
      %sub3A_1415 = arith.subf %select_n3A_1406, %get3A_1412 : vector<16xf32>
      %mul3A_1416 = arith.constant 2.200000e-08 : f32
      %mul3A_1417 = vector.broadcast %mul3A_1416 : f32 to vector<16xf32>
      %mul3A_1418 = arith.mulf %sub3A_1415, %mul3A_1417 : vector<16xf32>
      %add3A_1419 = arith.constant -6.99999987E-7 : f32
      %add3A_1420 = vector.broadcast %add3A_1419 : f32 to vector<16xf32>
      %add3A_1421 = arith.addf %add3A_1420, %mul3A_1418 : vector<16xf32>
      %mul3A_1422 = arith.mulf %sub3A_1415, %add3A_1421 : vector<16xf32>
      %add3A_1423 = arith.constant 5.600000e-05 : f32
      %add3A_1424 = vector.broadcast %add3A_1423 : f32 to vector<16xf32>
      %add3A_1425 = arith.addf %add3A_1424, %mul3A_1422 : vector<16xf32>
      %mul3A_1426 = arith.mulf %sub3A_1415, %add3A_1425 : vector<16xf32>
      %add3A_1427 = arith.constant -1.400000e-02 : f32
      %add3A_1428 = vector.broadcast %add3A_1427 : f32 to vector<16xf32>
      %add3A_1429 = arith.addf %add3A_1428, %mul3A_1426 : vector<16xf32>
      %mul3A_1430 = arith.mulf %sub3A_1415, %add3A_1429 : vector<16xf32>
      %add3A_1431 = arith.constant 1.000000e+00 : f32
      %add3A_1432 = vector.broadcast %add3A_1431 : f32 to vector<16xf32>
      %add3A_1433 = arith.addf %add3A_1432, %mul3A_1430 : vector<16xf32>
      %mul3A_1434 = arith.mulf %sub3A_1415, %sub3A_1415 : vector<16xf32>
      %mul3A_1435 = arith.mulf %get3A_1414, %mul3A_1434 : vector<16xf32>
      %mul3A_1436 = arith.mulf %mul3A_1435, %add3A_1433 : vector<16xf32>
      %add3A_1437 = arith.addf %add3A_1256, %mul3A_1436 : vector<16xf32>
      %get3A_1438 = arith.constant 112 : index
      %get3A_1439 = tpu.vector_load %arg22[%get3A_1438] {strides = array<i32>} : memref<128xf32, #tpu.memory_space<vmem>>, vector<16xf32>,
      %get3A_1440 = arith.constant 112 : index
      %get3A_1441 = tpu.vector_load %arg23[%get3A_1440] {strides = array<i32>} : memref<128xf32, #tpu.memory_space<vmem>>, vector<16xf32>,
      %get3A_1442 = arith.constant 112 : index
      %get3A_1443 = tpu.vector_load %arg24[%get3A_1442] {strides = array<i32>} : memref<128xf32, #tpu.memory_space<vmem>>, vector<16xf32>,
      %get3A_1444 = arith.constant 112 : index
      %get3A_1445 = tpu.vector_load %arg25[%get3A_1444] {strides = array<i32>} : memref<128xf32, #tpu.memory_space<vmem>>, vector<16xf32>,
      %get3A_1446 = arith.constant 112 : index
      %get3A_1447 = tpu.vector_load %arg26[%get3A_1446] {strides = array<i32>} : memref<128xf32, #tpu.memory_space<vmem>>, vector<16xf32>,
      %get3A_1448 = arith.constant 112 : index
      %get3A_1449 = tpu.vector_load %arg27[%get3A_1448] {strides = array<i32>} : memref<128xf32, #tpu.memory_space<vmem>>, vector<16xf32>,
      %get3A_1450 = arith.constant 112 : index
      %get3A_1451 = tpu.vector_load %arg28[%get3A_1450] {strides = array<i32>} : memref<128xf32, #tpu.memory_space<vmem>>, vector<16xf32>,
      %get3A_1452 = arith.constant 112 : index
      %get3A_1453 = tpu.vector_load %arg29[%get3A_1452] {strides = array<i32>} : memref<128xf32, #tpu.memory_space<vmem>>, vector<16xf32>,
      %get3A_1454 = arith.constant 112 : index
      %get3A_1455 = tpu.vector_load %arg30[%get3A_1454] {strides = array<i32>} : memref<128xf32, #tpu.memory_space<vmem>>, vector<16xf32>,
      %sub3A_1456 = arith.subf %get3A_1439, %get3A_1445 : vector<16xf32>
      %sub3A_1457 = arith.subf %get3A_1441, %get3A_1447 : vector<16xf32>
      %sub3A_1458 = arith.subf %get3A_1443, %get3A_1449 : vector<16xf32>
      %sub3A_1459 = arith.subf %get3A_1451, %get3A_1445 : vector<16xf32>
      %sub3A_1460 = arith.subf %get3A_1453, %get3A_1447 : vector<16xf32>
      %sub3A_1461 = arith.subf %get3A_1455, %get3A_1449 : vector<16xf32>
      %mul3A_1462 = arith.mulf %sub3A_1456, %sub3A_1459 : vector<16xf32>
      %mul3A_1463 = arith.mulf %sub3A_1457, %sub3A_1460 : vector<16xf32>
      %add3A_1464 = arith.addf %mul3A_1462, %mul3A_1463 : vector<16xf32>
      %mul3A_1465 = arith.mulf %sub3A_1458, %sub3A_1461 : vector<16xf32>
      %add3A_1466 = arith.addf %add3A_1464, %mul3A_1465 : vector<16xf32>
      %mul3A_1467 = arith.mulf %sub3A_1456, %sub3A_1456 : vector<16xf32>
      %mul3A_1468 = arith.mulf %sub3A_1457, %sub3A_1457 : vector<16xf32>
      %add3A_1469 = arith.addf %mul3A_1467, %mul3A_1468 : vector<16xf32>
      %mul3A_1470 = arith.mulf %sub3A_1458, %sub3A_1458 : vector<16xf32>
      %add3A_1471 = arith.addf %add3A_1469, %mul3A_1470 : vector<16xf32>
      %mul3A_1472 = arith.mulf %sub3A_1459, %sub3A_1459 : vector<16xf32>
      %mul3A_1473 = arith.mulf %sub3A_1460, %sub3A_1460 : vector<16xf32>
      %add3A_1474 = arith.addf %mul3A_1472, %mul3A_1473 : vector<16xf32>
      %mul3A_1475 = arith.mulf %sub3A_1461, %sub3A_1461 : vector<16xf32>
      %add3A_1476 = arith.addf %add3A_1474, %mul3A_1475 : vector<16xf32>
      %mul3A_1477 = arith.mulf %add3A_1471, %add3A_1476 : vector<16xf32>
      %max3A_1478 = arith.constant 1.000000e-30 : f32
      %max3A_1479 = vector.broadcast %max3A_1478 : f32 to vector<16xf32>
      %max3A_1480 = arith.maximumf %mul3A_1477, %max3A_1479 : vector<16xf32>
      %bitcast3A_1481 = vector.bitcast %max3A_1480 : vector<16xf32> to vector<16xi32>
      %shift_right_logical3A_1482 = arith.constant 1 : i32
      %shift_right_logical3A_1483 = vector.broadcast %shift_right_logical3A_1482 : i32 to vector<16xi32>
      %shift_right_logical3A_1484 = arith.shrui %bitcast3A_1481, %shift_right_logical3A_1483 : vector<16xi32>
      %sub3A_1485 = arith.constant 1597463007 : i32
      %sub3A_1486 = vector.broadcast %sub3A_1485 : i32 to vector<16xi32>
      %sub3A_1487 = arith.subi %sub3A_1486, %shift_right_logical3A_1484 : vector<16xi32>
      %bitcast3A_1488 = vector.bitcast %sub3A_1487 : vector<16xi32> to vector<16xf32>
      %mul3A_1489 = arith.constant 5.000000e-01 : f32
      %mul3A_1490 = vector.broadcast %mul3A_1489 : f32 to vector<16xf32>
      %mul3A_1491 = arith.mulf %mul3A_1490, %max3A_1480 : vector<16xf32>
      %mul3A_1492 = arith.mulf %mul3A_1491, %bitcast3A_1488 : vector<16xf32>
      %mul3A_1493 = arith.mulf %mul3A_1492, %bitcast3A_1488 : vector<16xf32>
      %sub3A_1494 = arith.constant 1.500000e+00 : f32
      %sub3A_1495 = vector.broadcast %sub3A_1494 : f32 to vector<16xf32>
      %sub3A_1496 = arith.subf %sub3A_1495, %mul3A_1493 : vector<16xf32>
      %mul3A_1497 = arith.mulf %bitcast3A_1488, %sub3A_1496 : vector<16xf32>
      %mul3A_1498 = arith.constant 5.000000e-01 : f32
      %mul3A_1499 = vector.broadcast %mul3A_1498 : f32 to vector<16xf32>
      %mul3A_1500 = arith.mulf %mul3A_1499, %max3A_1480 : vector<16xf32>
      %mul3A_1501 = arith.mulf %mul3A_1500, %mul3A_1497 : vector<16xf32>
      %mul3A_1502 = arith.mulf %mul3A_1501, %mul3A_1497 : vector<16xf32>
      %sub3A_1503 = arith.constant 1.500000e+00 : f32
      %sub3A_1504 = vector.broadcast %sub3A_1503 : f32 to vector<16xf32>
      %sub3A_1505 = arith.subf %sub3A_1504, %mul3A_1502 : vector<16xf32>
      %mul3A_1506 = arith.mulf %mul3A_1497, %sub3A_1505 : vector<16xf32>
      %mul3A_1507 = arith.constant 5.000000e-01 : f32
      %mul3A_1508 = vector.broadcast %mul3A_1507 : f32 to vector<16xf32>
      %mul3A_1509 = arith.mulf %mul3A_1508, %max3A_1480 : vector<16xf32>
      %mul3A_1510 = arith.mulf %mul3A_1509, %mul3A_1506 : vector<16xf32>
      %mul3A_1511 = arith.mulf %mul3A_1510, %mul3A_1506 : vector<16xf32>
      %sub3A_1512 = arith.constant 1.500000e+00 : f32
      %sub3A_1513 = vector.broadcast %sub3A_1512 : f32 to vector<16xf32>
      %sub3A_1514 = arith.subf %sub3A_1513, %mul3A_1511 : vector<16xf32>
      %mul3A_1515 = arith.mulf %mul3A_1506, %sub3A_1514 : vector<16xf32>
      %mul3A_1516 = arith.mulf %add3A_1466, %mul3A_1515 : vector<16xf32>
      %max3A_1517 = arith.constant -1.000000e+00 : f32
      %max3A_1518 = vector.broadcast %max3A_1517 : f32 to vector<16xf32>
      %max3A_1519 = arith.maximumf %mul3A_1516, %max3A_1518 : vector<16xf32>
      %min3A_1520 = arith.constant 1.000000e+00 : f32
      %min3A_1521 = vector.broadcast %min3A_1520 : f32 to vector<16xf32>
      %min3A_1522 = arith.minimumf %max3A_1519, %min3A_1521 : vector<16xf32>
      %abs3A_1523 = math.absf %min3A_1522 : vector<16xf32>
      %mul3A_1524 = arith.constant -1.872930e-02 : f32
      %mul3A_1525 = vector.broadcast %mul3A_1524 : f32 to vector<16xf32>
      %mul3A_1526 = arith.mulf %mul3A_1525, %abs3A_1523 : vector<16xf32>
      %add3A_1527 = arith.constant 7.426100e-02 : f32
      %add3A_1528 = vector.broadcast %add3A_1527 : f32 to vector<16xf32>
      %add3A_1529 = arith.addf %mul3A_1526, %add3A_1528 : vector<16xf32>
      %mul3A_1530 = arith.mulf %add3A_1529, %abs3A_1523 : vector<16xf32>
      %add3A_1531 = arith.constant -0.212114394 : f32
      %add3A_1532 = vector.broadcast %add3A_1531 : f32 to vector<16xf32>
      %add3A_1533 = arith.addf %mul3A_1530, %add3A_1532 : vector<16xf32>
      %mul3A_1534 = arith.mulf %add3A_1533, %abs3A_1523 : vector<16xf32>
      %add3A_1535 = arith.constant 1.57072878 : f32
      %add3A_1536 = vector.broadcast %add3A_1535 : f32 to vector<16xf32>
      %add3A_1537 = arith.addf %mul3A_1534, %add3A_1536 : vector<16xf32>
      %sub3A_1538 = arith.constant 1.000000e+00 : f32
      %sub3A_1539 = vector.broadcast %sub3A_1538 : f32 to vector<16xf32>
      %sub3A_1540 = arith.subf %sub3A_1539, %abs3A_1523 : vector<16xf32>
      %max3A_1541 = arith.constant 1.000000e-30 : f32
      %max3A_1542 = vector.broadcast %max3A_1541 : f32 to vector<16xf32>
      %max3A_1543 = arith.maximumf %sub3A_1540, %max3A_1542 : vector<16xf32>
      %bitcast3A_1544 = vector.bitcast %max3A_1543 : vector<16xf32> to vector<16xi32>
      %shift_right_logical3A_1545 = arith.constant 1 : i32
      %shift_right_logical3A_1546 = vector.broadcast %shift_right_logical3A_1545 : i32 to vector<16xi32>
      %shift_right_logical3A_1547 = arith.shrui %bitcast3A_1544, %shift_right_logical3A_1546 : vector<16xi32>
      %sub3A_1548 = arith.constant 1597463007 : i32
      %sub3A_1549 = vector.broadcast %sub3A_1548 : i32 to vector<16xi32>
      %sub3A_1550 = arith.subi %sub3A_1549, %shift_right_logical3A_1547 : vector<16xi32>
      %bitcast3A_1551 = vector.bitcast %sub3A_1550 : vector<16xi32> to vector<16xf32>
      %mul3A_1552 = arith.constant 5.000000e-01 : f32
      %mul3A_1553 = vector.broadcast %mul3A_1552 : f32 to vector<16xf32>
      %mul3A_1554 = arith.mulf %mul3A_1553, %max3A_1543 : vector<16xf32>
      %mul3A_1555 = arith.mulf %mul3A_1554, %bitcast3A_1551 : vector<16xf32>
      %mul3A_1556 = arith.mulf %mul3A_1555, %bitcast3A_1551 : vector<16xf32>
      %sub3A_1557 = arith.constant 1.500000e+00 : f32
      %sub3A_1558 = vector.broadcast %sub3A_1557 : f32 to vector<16xf32>
      %sub3A_1559 = arith.subf %sub3A_1558, %mul3A_1556 : vector<16xf32>
      %mul3A_1560 = arith.mulf %bitcast3A_1551, %sub3A_1559 : vector<16xf32>
      %mul3A_1561 = arith.constant 5.000000e-01 : f32
      %mul3A_1562 = vector.broadcast %mul3A_1561 : f32 to vector<16xf32>
      %mul3A_1563 = arith.mulf %mul3A_1562, %max3A_1543 : vector<16xf32>
      %mul3A_1564 = arith.mulf %mul3A_1563, %mul3A_1560 : vector<16xf32>
      %mul3A_1565 = arith.mulf %mul3A_1564, %mul3A_1560 : vector<16xf32>
      %sub3A_1566 = arith.constant 1.500000e+00 : f32
      %sub3A_1567 = vector.broadcast %sub3A_1566 : f32 to vector<16xf32>
      %sub3A_1568 = arith.subf %sub3A_1567, %mul3A_1565 : vector<16xf32>
      %mul3A_1569 = arith.mulf %mul3A_1560, %sub3A_1568 : vector<16xf32>
      %mul3A_1570 = arith.constant 5.000000e-01 : f32
      %mul3A_1571 = vector.broadcast %mul3A_1570 : f32 to vector<16xf32>
      %mul3A_1572 = arith.mulf %mul3A_1571, %max3A_1543 : vector<16xf32>
      %mul3A_1573 = arith.mulf %mul3A_1572, %mul3A_1569 : vector<16xf32>
      %mul3A_1574 = arith.mulf %mul3A_1573, %mul3A_1569 : vector<16xf32>
      %sub3A_1575 = arith.constant 1.500000e+00 : f32
      %sub3A_1576 = vector.broadcast %sub3A_1575 : f32 to vector<16xf32>
      %sub3A_1577 = arith.subf %sub3A_1576, %mul3A_1574 : vector<16xf32>
      %mul3A_1578 = arith.mulf %mul3A_1569, %sub3A_1577 : vector<16xf32>
      %mul3A_1579 = arith.mulf %sub3A_1540, %mul3A_1578 : vector<16xf32>
      %mul3A_1580 = arith.mulf %mul3A_1579, %add3A_1537 : vector<16xf32>
      %ge3A_1581 = arith.constant 0.000000e+00 : f32
      %ge3A_1582 = vector.broadcast %ge3A_1581 : f32 to vector<16xf32>
      %ge3A_1583 = arith.cmpf oge, %min3A_1522, %ge3A_1582 : vector<16xf32>
      %sub3A_1584 = arith.constant 3.14159274 : f32
      %sub3A_1585 = vector.broadcast %sub3A_1584 : f32 to vector<16xf32>
      %sub3A_1586 = arith.subf %sub3A_1585, %mul3A_1580 : vector<16xf32>
      %select_n3A_1587 = arith.select %ge3A_1583, %mul3A_1580, %sub3A_1586 : vector<16xi1>, vector<16xf32>
      %mul3A_1588 = arith.constant 128 : i32
      %mul3A_1589 = arith.muli %scan3A_24, %mul3A_1588 : i32
      %add3A_1590 = arith.constant 112 : i32
      %add3A_1591 = arith.addi %mul3A_1589, %add3A_1590 : i32
      %get3A_1592 = arith.index_cast %add3A_1591 : i32 to index
      %get3A_1593 = tpu.vector_load %arg17[%get3A_1592] {strides = array<i32>} : memref<6272xf32, #tpu.memory_space<vmem>>, vector<16xf32>,
      %get3A_1594 = arith.index_cast %add3A_1591 : i32 to index
      %get3A_1595 = tpu.vector_load %arg18[%get3A_1594] {strides = array<i32>} : memref<6272xf32, #tpu.memory_space<vmem>>, vector<16xf32>,
      %sub3A_1596 = arith.subf %select_n3A_1587, %get3A_1593 : vector<16xf32>
      %mul3A_1597 = arith.constant 2.200000e-08 : f32
      %mul3A_1598 = vector.broadcast %mul3A_1597 : f32 to vector<16xf32>
      %mul3A_1599 = arith.mulf %sub3A_1596, %mul3A_1598 : vector<16xf32>
      %add3A_1600 = arith.constant -6.99999987E-7 : f32
      %add3A_1601 = vector.broadcast %add3A_1600 : f32 to vector<16xf32>
      %add3A_1602 = arith.addf %add3A_1601, %mul3A_1599 : vector<16xf32>
      %mul3A_1603 = arith.mulf %sub3A_1596, %add3A_1602 : vector<16xf32>
      %add3A_1604 = arith.constant 5.600000e-05 : f32
      %add3A_1605 = vector.broadcast %add3A_1604 : f32 to vector<16xf32>
      %add3A_1606 = arith.addf %add3A_1605, %mul3A_1603 : vector<16xf32>
      %mul3A_1607 = arith.mulf %sub3A_1596, %add3A_1606 : vector<16xf32>
      %add3A_1608 = arith.constant -1.400000e-02 : f32
      %add3A_1609 = vector.broadcast %add3A_1608 : f32 to vector<16xf32>
      %add3A_1610 = arith.addf %add3A_1609, %mul3A_1607 : vector<16xf32>
      %mul3A_1611 = arith.mulf %sub3A_1596, %add3A_1610 : vector<16xf32>
      %add3A_1612 = arith.constant 1.000000e+00 : f32
      %add3A_1613 = vector.broadcast %add3A_1612 : f32 to vector<16xf32>
      %add3A_1614 = arith.addf %add3A_1613, %mul3A_1611 : vector<16xf32>
      %mul3A_1615 = arith.mulf %sub3A_1596, %sub3A_1596 : vector<16xf32>
      %mul3A_1616 = arith.mulf %get3A_1595, %mul3A_1615 : vector<16xf32>
      %mul3A_1617 = arith.mulf %mul3A_1616, %add3A_1614 : vector<16xf32>
      %add3A_1618 = arith.addf %add3A_1437, %mul3A_1617 : vector<16xf32>
      scf.yield %add3A_1618 : vector<16xf32>
    }
    %scan3A_22 = arith.constant 49 : i32
    %swap3A = arith.constant 0 : index
    %swap3A_23 = tpu.vector_load %arg31[%swap3A] {strides = array<i32>} : memref<16xf32, #tpu.memory_space<vmem>>, vector<16xf32>,
    tpu.vector_store %arg31[%swap3A], %scan3A_21 {strides = array<i32>} : memref<16xf32, #tpu.memory_space<vmem>>, vector<16xf32>,
    "tpu.region"() ({
      %run_scoped3A = tpu.sem_alloc : memref<!tpu.dma_semaphore, #tpu.memory_space<semaphore_mem>>
      %dma_start3A = arith.constant 0 : i32
      %dma_start3A_24 = tpu.memref_slice %arg10[%add3A, %dma_start3A] : memref<32x16xf32, #tpu.memory_space<hbm>> -> memref<1x16xf32, #tpu.memory_space<hbm>>
      %dma_start3A_25 = tpu.memref_squeeze %dma_start3A_24 : memref<1x16xf32, #tpu.memory_space<hbm>> -> memref<16xf32, #tpu.memory_space<hbm>>
      %dma_start3A_26 = arith.constant 0 : i32
      %dma_start3A_27 = tpu.memref_slice %arg10[%add3A, %dma_start3A_26] : memref<32x16xf32, #tpu.memory_space<hbm>> -> memref<1x16xf32, #tpu.memory_space<hbm>>
      %dma_start3A_28 = tpu.memref_squeeze %dma_start3A_27 : memref<1x16xf32, #tpu.memory_space<hbm>> -> memref<16xf32, #tpu.memory_space<hbm>>
      tpu.enqueue_dma source(%arg31 : memref<16xf32, #tpu.memory_space<vmem>>) target(%dma_start3A_28 : memref<16xf32, #tpu.memory_space<hbm>>) target_semaphore(%run_scoped3A : memref<!tpu.dma_semaphore, #tpu.memory_space<semaphore_mem>>)
      %dma_wait3A = arith.constant 0 : i32
      %dma_wait3A_29 = tpu.memref_slice %arg10[%add3A, %dma_wait3A] : memref<32x16xf32, #tpu.memory_space<hbm>> -> memref<1x16xf32, #tpu.memory_space<hbm>>
      %dma_wait3A_30 = tpu.memref_squeeze %dma_wait3A_29 : memref<1x16xf32, #tpu.memory_space<hbm>> -> memref<16xf32, #tpu.memory_space<hbm>>
      %dma_wait3A_31 = arith.constant 0 : i32
      %dma_wait3A_32 = tpu.memref_slice %arg10[%add3A, %dma_wait3A_31] : memref<32x16xf32, #tpu.memory_space<hbm>> -> memref<1x16xf32, #tpu.memory_space<hbm>>
      %dma_wait3A_33 = tpu.memref_squeeze %dma_wait3A_32 : memref<1x16xf32, #tpu.memory_space<hbm>> -> memref<16xf32, #tpu.memory_space<hbm>>
      tpu.wait_dma2 semaphore(%run_scoped3A : memref<!tpu.dma_semaphore, #tpu.memory_space<semaphore_mem>>) src(%arg31 : memref<16xf32, #tpu.memory_space<vmem>>) dst(%dma_wait3A_33 : memref<16xf32, #tpu.memory_space<hbm>>)
      tpu.yield
    }) : () -> ()
    return
  }
}

</mosaic_0001>

<sc_bundles>
// kernel: kernel.3.cloned.1.call-start
scs
__scs_entry_jumppad:
0x0: {  	(pc) =	sbr.rel $0x88, $3  }
0x1: {  	(tag) =	ssettag $0x0;
	lr =	simm.s32 $0x1  }
0x2: {  	[smem:$0x3F9D] =	sst lr;
	_ =	strace $0xD0000000  }
0x3: {  	_ = 	snop  }
0x4: {  	_ = 	snop  }
0x5: {  	_ = 	snop  }
0x6: {  	_ = 	snop  }
0x7: {  	_ = 	snop  }
__scs_overlays_trampoline_lowered:
0x8: {  	[smem:$0x3FAC] =	sst s0  }
0x9: {  	[smem:$0x3FAD] =	sst s1  }
0xa: {  	[smem:$0x3FAE] =	sst s2  }
0xb: {  	[smem:$0x3FAF] =	sst s3  }
0xc: {  	[smem:$0x3FB0] =	sst s4  }
0xd: {  	[smem:$0x3FB1] =	sst s5  }
0xe: {  	[smem:$0x3FB2] =	sst s6  }
0xf: {  	[smem:$0x3FB3] =	sst s7  }
0x10: {  	[smem:$0x3FB4] =	sst s8  }
0x11: {  	[smem:$0x3FB5] =	sst s9;
	s0 =	simm.s32 @!p0 $0x0  }
0x12: {  	s1 =	sld [smem:$0x3F9B];
	s0 =	simm.s32 @p0 $0x1  }
0x13: {  	[smem:$0x3FB6] =	sst s0;
	s0 =	simm.s32 @!p1 $0x0  }
0x14: {  	s2 =	sld [smem:$0x3F9A];
	s0 =	simm.s32 @p1 $0x1  }
0x15: {  	[smem:$0x3FB7] =	sst s0;
	s0 =	simm.s32 @!p2 $0x0  }
0x16: {  	s3 =	sld [smem:$0x3FDB];
	s0 =	simm.s32 @p2 $0x1  }
0x17: {  	s4 =	simm.s32 $0x1BF5;
	[smem:$0x3FB9] =	sst s0  }
0x18: {  	s0 =	sld [smem:$0x3F9C];
	_ =	swait.ge [sflag:s4], $0x0  }
0x19: {  	s7 =	sld [smem:$0x3F9D]  }
0x1a: {  	s8 =	sadd.s32 $0xFFFFE003, lr  }
0x1b: {  	s9 =	sadd.s32 $0xFFFFFEF7, lr;
	s5 =	simm.s32 $0xFFFFFFFF;
	p2 =	slt.u32 s8, $0xFFFFF086  }
0x1c: {  	p1 =	slt.u32 s9, $0xF7A;
	s5 =	simm.s32 @!p2 $0x0  }
0x1d: {  	s5 =	simm.s32 @p1 $0x1;
	p0 =	seq.s32 s7, s2  }
0x1e: {  	s7 =	smul.u32 @!p0 $0xF7A, s2;
	p2 =	seq.s32 @!p0 s5, $0x0  }
0x1f: {  	s9 =	smul.u32 $0xF7A, s1;
	s8 =	simm.s32 @!p0 $0x1BF5;
	p2 =	por !p2, p0  }
0x20: {  	[sflag:s8] =	ssyncset.s32 @!p0 $0xFFFFF086;
	s6 =	sadd.s32 @!p0 s3, s7;
	s7 =	simm.s32 @!p0 $0x108  }
0x21: {  	s3 =	sadd.s32 s3, s9;
	s6 =	sadd.s32 @!p0 $0x88, s6;
	s7 =	simm.s32 @p2 $0x1082  }
0x22: {  	[simem:s7], [sflag:s8] =	dma.local @!p0 [hbm:s6], $0xF7A  }
0x23: {  	s9 =	sor.u32 $0xD0000000, s2;
	s6 =	simm.s32 $0x108;
	_ =	swait.ge @!p0 [sflag:s8], $0x0  }
0x24: {  	s3 =	sadd.s32 $0x88, s3;
	s6 =	simm.s32 @!p1 $0x1082;
	[sflag:s4] =	ssyncset.s32 $0xFFFFF086  }
0x25: {  	[simem:s6], [sflag:s4] =	dma.local [hbm:s3], $0xF7A  }
0x26: {  	[smem:$0x3F9D] =	sst s1;
	(tag) =	ssettag s2;
	_ =	strace s9  }
0x27: {  	s1 =	sld [smem:$0x3FAD]  }
0x28: {  	s2 =	sld [smem:$0x3FAE]  }
0x29: {  	s4 =	sld [smem:$0x3FB0]  }
0x2a: {  	p0 =	seq.s32 s5, $0x0;
	s5 =	sld [smem:$0x3FB1]  }
0x2b: {  	s6 =	sld [smem:$0x3FB2]  }
0x2c: {  	s7 =	sld [smem:$0x3FB3]  }
0x2d: {  	s3 =	simm.s32 $0x108;
	s8 =	sld [smem:$0x3FB4]  }
0x2e: {  	s3 =	simm.s32 @!p0 $0x1082;
	s9 =	sld [smem:$0x3FB5]  }
0x2f: {  	lr =	sadd.s32 s0, s3;
	s0 =	sld [smem:$0x3FAC]  }
0x30: {  	s3 =	sld [smem:$0x3FAF]  }
0x31: {  	[smem:$0x3FB8] =	sst s10  }
0x32: {  	s10 =	sld [smem:$0x3FB6];
	_ =	sdelay $0x3  }
0x33: {  	p0 =	seq.s32 s10, $0x1;
	s10 =	sld [smem:$0x3FB8];
	_ =	sdelay $0x3  }
0x34: {  	[smem:$0x3FB8] =	sst s10  }
0x35: {  	s10 =	sld [smem:$0x3FB7];
	_ =	sdelay $0x3  }
0x36: {  	p1 =	seq.s32 s10, $0x1;
	s10 =	sld [smem:$0x3FB8];
	_ =	sdelay $0x3  }
0x37: {  	[smem:$0x3FB8] =	sst s10  }
0x38: {  	s10 =	sld [smem:$0x3FB9]  }
0x39: {  	_ = 	snop;
	(pc) =	sbr.ind lr, $3  }
0x3a: {  	_ = 	snop  }
0x3b: {  	_ = 	snop  }
0x3c: {  	p2 =	seq.s32 s10, $0x1;
	s10 =	sld [smem:$0x3FB8]  }
0x3d: {  	_ =	shalt  }
0x3e: {  	_ =	shalt  }
0x3f: {  	_ =	shalt  }
0x40: {  	_ =	shalt  }
0x41: {  	_ =	shalt  }
0x42: {  	_ =	shalt  }
0x43: {  	_ =	shalt  }
0x44: {  	_ =	shalt  }
0x45: {  	_ =	shalt  }
0x46: {  	_ =	shalt  }
0x47: {  	_ =	shalt  }
0x48: {  	_ =	shalt  }
0x49: {  	_ =	shalt  }
0x4a: {  	_ =	shalt  }
0x4b: {  	_ =	shalt  }
0x4c: {  	_ =	shalt  }
0x4d: {  	_ =	shalt  }
0x4e: {  	_ =	shalt  }
0x4f: {  	_ =	shalt  }
0x50: {  	_ =	shalt  }
0x51: {  	_ =	shalt  }
0x52: {  	_ =	shalt  }
0x53: {  	_ =	shalt  }
0x54: {  	_ =	shalt  }
0x55: {  	_ =	shalt  }
0x56: {  	_ =	shalt  }
0x57: {  	_ =	shalt  }
0x58: {  	_ =	shalt  }
0x59: {  	_ =	shalt  }
0x5a: {  	_ =	shalt  }
0x5b: {  	_ =	shalt  }
0x5c: {  	_ =	shalt  }
0x5d: {  	_ =	shalt  }
0x5e: {  	_ =	shalt  }
0x5f: {  	_ =	shalt  }
0x60: {  	_ =	shalt  }
0x61: {  	_ =	shalt  }
0x62: {  	_ =	shalt  }
0x63: {  	_ =	shalt  }
0x64: {  	_ =	shalt  }
0x65: {  	_ =	shalt  }
0x66: {  	_ =	shalt  }
0x67: {  	_ =	shalt  }
0x68: {  	_ =	shalt  }
0x69: {  	_ =	shalt  }
0x6a: {  	_ =	shalt  }
0x6b: {  	_ =	shalt  }
0x6c: {  	_ =	shalt  }
0x6d: {  	_ =	shalt  }
0x6e: {  	_ =	shalt  }
0x6f: {  	_ =	shalt  }
0x70: {  	_ =	shalt  }
0x71: {  	_ =	shalt  }
0x72: {  	_ =	shalt  }
0x73: {  	_ =	shalt  }
0x74: {  	_ =	shalt  }
0x75: {  	_ =	shalt  }
0x76: {  	_ =	shalt  }
0x77: {  	_ =	shalt  }
0x78: {  	_ =	shalt  }
0x79: {  	_ =	shalt  }
0x7a: {  	_ =	shalt  }
0x7b: {  	_ =	shalt  }
0x7c: {  	_ =	shalt  }
0x7d: {  	_ =	shalt  }
0x7e: {  	_ =	shalt  }
0x7f: {  	_ =	shalt  }
0x80: {  	_ =	shalt  }
0x81: {  	_ =	shalt  }
0x82: {  	_ =	shalt  }
0x83: {  	_ =	shalt  }
0x84: {  	_ =	shalt  }
0x85: {  	_ =	shalt  }
0x86: {  	_ =	shalt  }
0x87: {  	_ =	shalt  }
.Lfunc_end0:
.L_simem_size_0:
called_computation_lowered:
.L_overlay_start_0:
0x88: {  	s2 =	sld [smem:$0x3FD9]  }
0x89: {  	s3 =	sld [smem:$0x3FFE];
	_ =	sdelay $0x1  }
0x8a: {  	s1 =	srdreg.scid  }
0x8b: {  	s0 =	sand.u32 $0x1, s1  }
0x8c: {  	s16 =	sshll.u32 s0, $0xA;
	s2 =	sadd.s32 s3, s2  }
0x8d: {  	s2 =	sadd.s32 s2, s16  }
0x8e: {  	[smem:$0x3FC4] =	sst s2  }
0x8f: {  	_ = 	snop  }
0x90: {  	(tm) =	ssettm $0x1  }
0x91: {  	s17 =	sld [smem:$0x3FFB];
	_ =	sdelay $0x3  }
0x92: {  	_ =	strace s17  }
0x93: {  	s2 =	sld [smem:$0x3FFC];
	_ =	sdelay $0x3  }
0x94: {  	_ =	strace s2  }
0x95: {  	s2 =	sld [smem:$0x3FFD];
	_ =	sdelay $0x3  }
0x96: {  	_ =	strace s2  }
0x97: {  	_ =	strace $0x8FFFFFFF  }
0x98: {  	s18 =	sld [smem:$0x3FDB];
	_ =	sdelay $0x1  }
0x99: {  	s19 =	simm.s32 $_scs_section_size  }
0x9a: {  	s4 =	simm.s32 $_size__tile_overlayer_lowered;
	s5 =	simm.s32 $_tile_overlayer_lowered  }
0x9b: {  	s22 =	simm.s32 $0x1BFF;
	s21 =	sshll.u32 s5, $0x1;
	s2 =	sadd.s32 s19, s18  }
0x9c: {  	s6 =	simm.s32 $0x0;
	s20 =	sshll.u32 s4, $0x1;
	s4 =	sadd.s32 s21, s2  }
0x9d: {  	[timem:s6], [sflag:s22] =	dma.local [hbm:s4], s20  }
0x9e: {  	_ =	swait.ge [sflag:s22], s20  }
0x9f: {  	s3 =	ssub.s32 $0x0, s20;
	[sflag:s22] =	ssyncset.done $0x0  }
0xa0: {  	[sflag:s22] =	ssyncadd.s32 s3;
	_ =	sdelay $0x1  }
0xa1: {  	s23 =	simm.s32 $0x1B8B  }
0xa2: {  	_ =	swait.ge [sflag:s23], $0x1  }
0xa3: {  	[sflag:s23] =	ssyncset.done $0x0  }
0xa4: {  	s25 =	simm.s32 $0x1B8E;
	s24 =	sld [smem:$0x3FFE];
	[sflag:s23] =	ssyncadd.s32 $0xFFFFFFFF  }
0xa5: {  	s26 =	simm.s32 $execute0_lowered;
	[smem:$0x3FD2] =	sst s25  }
0xa6: {  	s4 =	sshll.u32 s26, $0x1;
	_ =	strace $0x80000046;
	[dreg:$0x1] =	wrdreg $0xFFFFFFFF  }
0xa7: {  	s28 =	simm.s32 $_size_execute0_lowered;
	s2 =	sadd.s32 s2, s4;
	[dreg:$0x0] =	wrdreg $0x0  }
0xa8: {  	s4 =	sshll.u32 s28, $0x1;
	[dreg:$0x2] =	wrdreg s2  }
0xa9: {  	[dreg:$0x3] =	wrdreg s4  }
0xaa: {  	[dreg:$0x4] =	wrdreg $0xC0  }
0xab: {  	_ =	task [dreg:s6], $0x5FFFF  }
0xac: {  	[dreg:$0x1] =	wrdreg $0xFFFFFFFF  }
0xad: {  	[dreg:$0x0] =	wrdreg $0x60  }
0xae: {  	[dreg:$0x2] =	wrdreg s24  }
0xaf: {  	[dreg:$0x3] =	wrdreg $0x0  }
0xb0: {  	[dreg:$0x4] =	wrdreg $0x18700  }
0xb1: {  	[dreg:$0x5] =	wrdreg $0x30E00  }
0xb2: {  	[dreg:$0x6] =	wrdreg $0x9  }
0xb3: {  	_ =	task.clear_ibuf [dreg:s6], $0x7FFFF;
	_ =	strace $0x90000046  }
0xb4: {  	s29 =	simm.s32 $0x9;
	_ =	strace $0x80000048  }
0xb5: {  	_ =	swait.ge [sflag:s29], $0x1  }
0xb6: {  	[sflag:s29] =	ssyncadd.s32 $0xFFFFFFFF  }
0xb7: {  	_ =	strace $0x90000048  }
0xb8: {  	_ =	sfence  }
0xb9: {  	s30 =	sld [smem:$0x0];
	_ =	sdelay $0x2  }
0xba: {  	s31 =	sshll.u32 s1, $0xD;
	s1 =	sshrl.u32 s1, $0x2  }
0xbb: {  	s3 =	sand.u32 $0x4000, s31;
	s1 =	sadd.s32 s1, s30  }
0xbc: {  	s0 =	sor.u32 s3, s0;
	s1 =	sshll.u32 s1, $0x11  }
0xbd: {  	s0 =	sor.u32 s1, s0  }
0xbe: {  	s0 =	sadd.s32 $0x8F2B, s0  }
0xbf: {  	[sflag:s0] =	ssyncadd.remote.s32 $0x1  }
0xc0: {  	_ =	sfence.sel $0xFFFF  }
0xc1: {  	[dreg:$0x0] =	wrdreg $0xFFFFFFFF;
	(pc) =	sbr.abs _section_cstart, $3  }
0xc2: {  	[dreg:$0x1] =	wrdreg $0xFFFFFFFF  }
0xc3: {  	_ =	task.clear_ibuf [dreg:s6], $0x2FFFF;
	_ =	strace $0x9FFFFFFF  }
0xc4: {  	(tm) =	ssettm $0x7FFFFFFF  }
0xc5: {  	_ =	shalt  }
tec
execute0_lowered:
.L_overlay_start_1:
0x0: {  	(tag) =	ssettag $0x1  }
0x1: {  	s0 =	rddreg [dreg:$0x0]  }
0x2: {  	s1 =	rddreg [dreg:$0x1]  }
0x3: {  	s2 =	rddreg [dreg:$0x2]  }
0x4: {  	s3 =	rddreg [dreg:$0x3]  }
0x5: {  	s5 =	srdreg.scid;
	s6 =	stileid.u32;
	s4 =	simm.s32 $0x0  }
0x6: {  	s17 =	simm.s32 $0x2;
	s28 =	simm.s32 $0xD0D0;
	s29 =	simm.s32 $0xCED0  }
0x7: {  	s30 =	simm.s32 $0xD150;
	s31 =	simm.s32 $0xD1D0;
	s16 =	simm.s32 $0xCF50  }
0x8: {  	s15 =	simm.s32 $0x1;
	s18 =	simm.s32 $0xD450;
	s19 =	simm.s32 $0x0  }
0x9: {  	s5 =	sand.u32 $0x1, s5;
	s7 =	sshll.u32 s6, $0x1;
	[smem:$0x7FF] =	sst s4  }
0xa: {  	s8 =	sadd.s32 $0x1B400, s0;
	s9 =	sadd.s32 $0x18200, s0;
	s23 =	sadd.s32 $0x15000, s0  }
0xb: {  	p0 =	seq.s32 s6, $0x2;
	_ =	strace $0x80000047;
	[dreg:$0x5] =	wrdreg s8  }
0xc: {  	s26 =	sshrl.u32 s3, $0x3;
	p2 =	seq.s32 s6, $0x1;
	[dreg:$0x6] =	wrdreg s9  }
0xd: {  	p1 =	sne.s32 s6, $0x0;
	s6 =	simm.s32 $0xD350;
	[dreg:$0x7] =	wrdreg s23  }
0xe: {  	s7 =	sor.u32 s5, s7;
	s5 =	ssub.s32 $0x2, s5;
	[dreg:$0x8] =	wrdreg s26  }
0xf: {  	s23 =	simm.s32 $0x80;
	s26 =	simm.s32 $0xD050;
	s22 =	smul.u32 $0x310, s7  }
0x10: {  	s24 =	smul.u32 $0x380, s7;
	s7 =	sshll.u32 s7, $0x4;
	s10 =	sshrl.u32 s5, $0x1  }
0x11: {  	s7 =	sadd.s32 s7, s0;
	s25 =	ssub.s32 s5, s10;
	s5 =	simm.s32 $0xD2D0  }
0x12: {  	s12 =	sadd.s32 s22, s0;
	s8 =	sadd.s32 s0, s24;
	s13 =	sadd.s32 $0x2AA00, s7  }
0x13: {  	s14 =	smax.u32 s25, $0x1;
	s24 =	simm.s32 $0xCE50;
	s25 =	simm.s32 $0xCFD0  }
0x14: {  	s0 =	simm.s32 $0xD250;
	s7 =	simm.s32 $0xD3D0;
	s9 =	sadd.s32 $0x7000, s8  }
0x15: {  	s10 =	sadd.s32 $0xE000, s8;
	s11 =	sadd.s32 $0x1E600, s12;
	s12 =	sadd.s32 $0x24800, s12  }
.LBB2_1:
.Ltmp0:
0x16: {  	(pc) =	sbr.rel @p0 .LBB2_6-.Ltmp0, $1  }
0x17: {  	_ =	sdelay $0x3  }
.Ltmp1:
0x18: {  	(pc) =	sbr.rel @p2 .LBB2_5-.Ltmp1, $1  }
0x19: {  	_ =	sdelay $0x3  }
.Ltmp2:
0x1a: {  	(pc) =	sbr.rel @p1 .LBB2_8-.Ltmp2, $1  }
0x1b: {  	_ =	sdelay $0x3  }
0x1c: {  	s20 =	sshrl.u32 s1, $0x3;
	s21 =	rddreg [dreg:$0x5]  }
0x1d: {  	s22 =	smov.u32 s8;
	s8 =	smov.u32 s14;
	s14 =	smov.u32 s13  }
0x1e: {  	s13 =	smov.u32 s12;
	s12 =	smov.u32 s11;
	s11 =	smov.u32 s10  }
.Ltmp3:
0x1f: {  	s10 =	smov.u32 s9;
	s9 =	simm.s32 $0x1C02;
	(pc) =	sbr.rel .LBB2_7-.Ltmp3, $4  }
0x20: {  	[spmem:s20], [sflag:s9] =	dma.local [hbm:s21], $0x30E0  }
0x21: {  	s9 =	smov.u32 s10  }
0x22: {  	s10 =	smov.u32 s11;
	s11 =	smov.u32 s12;
	s12 =	smov.u32 s13  }
0x23: {  	s13 =	smov.u32 s14;
	s14 =	smov.u32 s8;
	s8 =	smov.u32 s22  }
.LBB2_5:
.Ltmp4:
0x24: {  	(pc) =	sbr.rel .LBB2_7-.Ltmp4, $4  }
0x25: {  	_ = 	snop  }
0x26: {  	s20 =	sshrl.u32 s2, $0x3;
	s21 =	rddreg [dreg:$0x6];
	s18 =	simm.s32 $0x1C42  }
0x27: {  	[spmem:s20], [sflag:s18] =	dma.local [hbm:s21], $0x30E0  }
0x28: {  	s18 =	simm.s32 $0xD450  }
.LBB2_6:
0x29: {  	s20 =	rddreg [dreg:$0x7]  }
0x2a: {  	s21 =	rddreg [dreg:$0x8];
	s22 =	simm.s32 $0x1C82  }
0x2b: {  	[spmem:s21], [sflag:s22] =	dma.local [hbm:s20], $0x30E0  }
.LBB2_7:
0x2c: {  	_ =	swait.ge [sflag:s17], $0x30E0  }
0x2d: {  	[sflag:s17] =	ssyncset.done $0x0  }
0x2e: {  	[sflag:s17] =	ssyncadd.s32 $0xFFFFCF20  }
.LBB2_8:
0x2f: {  	s20 =	simm.s32 $0x4950  }
0x30: {  	[tilespmem:s20], [sflag:$0x2] =	stream.linear.gather [hbm4b:s8+s4], $0x1880, $0x38;
	[tilespmem:$0xD4D0] =	vst v63  }
0x31: {  	_ =	swait.ge [sflag:s17], $0x1880  }
0x32: {  	[sflag:s17] =	ssyncset.done $0x0  }
0x33: {  	s21 =	simm.s32 $0x6550;
	[sflag:s17] =	ssyncadd.s32 $0xFFFFE780  }
0x34: {  	[tilespmem:s21], [sflag:$0x2] =	stream.linear.gather [hbm4b:s9+s4], $0x1880, $0x38;
	[tilespmem:$0xD4D0] =	vst v63  }
0x35: {  	_ =	swait.ge [sflag:s17], $0x1880  }
0x36: {  	[sflag:s17] =	ssyncset.done $0x0  }
0x37: {  	s22 =	simm.s32 $0x8150;
	[sflag:s17] =	ssyncadd.s32 $0xFFFFE780  }
0x38: {  	[tilespmem:s22], [sflag:$0x2] =	stream.linear.gather [hbm4b:s10+s4], $0x1880, $0x38;
	[tilespmem:$0xD4D0] =	vst v63  }
0x39: {  	_ =	swait.ge [sflag:s17], $0x1880  }
0x3a: {  	[sflag:s17] =	ssyncset.done $0x0  }
0x3b: {  	s21 =	simm.s32 $0x9D50;
	[sflag:s17] =	ssyncadd.s32 $0xFFFFE780  }
0x3c: {  	[tilespmem:s21], [sflag:$0x2] =	stream.linear.gather [hbm4b:s11+s4], $0x1880, $0x38;
	[tilespmem:$0xD4D0] =	vst v63  }
0x3d: {  	_ =	swait.ge [sflag:s17], $0x1880  }
0x3e: {  	[sflag:s17] =	ssyncset.done $0x0  }
0x3f: {  	s22 =	simm.s32 $0xB5D0;
	[sflag:s17] =	ssyncadd.s32 $0xFFFFE780  }
0x40: {  	[tilespmem:s22], [sflag:$0x2] =	stream.linear.gather [hbm4b:s12+s4], $0x1880, $0x38;
	[tilespmem:$0xD4D0] =	vst v63  }
0x41: {  	_ =	swait.ge [sflag:s17], $0x1880  }
0x42: {  	[sflag:s17] =	ssyncset.done $0x0  }
0x43: {  	[sflag:s17] =	ssyncadd.s32 $0xFFFFE780  }
0x44: {  	v0 =	vimm.f32 $0.0e+00;
	s20 =	simm.s32 $0x1C0;
	[bflag:$0x0] =	sbarrier.arrive $0xFFFF  }
.LBB2_9:
0x45: {  	s21 =	sshra.s32 s20, $0x2  }
0x46: {  	v1 =	vld [tilespmem:s21+$0x48E0];
	_ =	sdelay $0x4  }
0x47: {  	[tilespmem:$0xCE50] =	vst v1  }
0x48: {  	v1 =	vld [tilespmem:s21+$0x64E0];
	_ =	sdelay $0x4  }
0x49: {  	[tilespmem:$0xCED0] =	vst v1  }
0x4a: {  	v1 =	vld [tilespmem:s21+$0x80E0];
	_ =	sdelay $0x4  }
0x4b: {  	[tilespmem:$0xCF50] =	vst v1  }
0x4c: {  	v1 =	vld [tilespmem:s21+$0x48F0];
	_ =	sdelay $0x4  }
0x4d: {  	[tilespmem:$0xCE60] =	vst v1  }
0x4e: {  	v1 =	vld [tilespmem:s21+$0x64F0];
	_ =	sdelay $0x4  }
0x4f: {  	[tilespmem:$0xCEE0] =	vst v1  }
0x50: {  	v1 =	vld [tilespmem:s21+$0x80F0];
	_ =	sdelay $0x4  }
0x51: {  	[tilespmem:$0xCF60] =	vst v1  }
0x52: {  	v1 =	vld [tilespmem:s21+$0x4900];
	_ =	sdelay $0x4  }
0x53: {  	[tilespmem:$0xCE70] =	vst v1  }
0x54: {  	v1 =	vld [tilespmem:s21+$0x6500];
	_ =	sdelay $0x4  }
0x55: {  	[tilespmem:$0xCEF0] =	vst v1  }
0x56: {  	v1 =	vld [tilespmem:s21+$0x8100];
	_ =	sdelay $0x4  }
0x57: {  	[tilespmem:$0xCF70] =	vst v1  }
0x58: {  	v1 =	vld [tilespmem:s21+$0x4910];
	_ =	sdelay $0x4  }
0x59: {  	[tilespmem:$0xCE80] =	vst v1  }
0x5a: {  	v1 =	vld [tilespmem:s21+$0x6510];
	_ =	sdelay $0x4  }
0x5b: {  	[tilespmem:$0xCF00] =	vst v1  }
0x5c: {  	v1 =	vld [tilespmem:s21+$0x8110];
	_ =	sdelay $0x4  }
0x5d: {  	[tilespmem:$0xCF80] =	vst v1  }
0x5e: {  	v1 =	vld [tilespmem:s21+$0x4920];
	_ =	sdelay $0x4  }
0x5f: {  	[tilespmem:$0xCE90] =	vst v1  }
0x60: {  	v1 =	vld [tilespmem:s21+$0x6520];
	_ =	sdelay $0x4  }
0x61: {  	[tilespmem:$0xCF10] =	vst v1  }
0x62: {  	v1 =	vld [tilespmem:s21+$0x8120];
	_ =	sdelay $0x4  }
0x63: {  	[tilespmem:$0xCF90] =	vst v1  }
0x64: {  	v1 =	vld [tilespmem:s21+$0x4930];
	_ =	sdelay $0x4  }
0x65: {  	[tilespmem:$0xCEA0] =	vst v1  }
0x66: {  	v1 =	vld [tilespmem:s21+$0x6530];
	_ =	sdelay $0x4  }
0x67: {  	[tilespmem:$0xCF20] =	vst v1  }
0x68: {  	v1 =	vld [tilespmem:s21+$0x8130];
	_ =	sdelay $0x4  }
0x69: {  	[tilespmem:$0xCFA0] =	vst v1  }
0x6a: {  	v1 =	vld [tilespmem:s21+$0x4940];
	_ =	sdelay $0x4  }
0x6b: {  	[tilespmem:$0xCEB0] =	vst v1  }
0x6c: {  	v1 =	vld [tilespmem:s21+$0x6540];
	_ =	sdelay $0x4  }
0x6d: {  	[tilespmem:$0xCF30] =	vst v1  }
0x6e: {  	v1 =	vld [tilespmem:s21+$0x8140];
	_ =	sdelay $0x4  }
0x6f: {  	[tilespmem:$0xCFB0] =	vst v1  }
0x70: {  	v1 =	vld [tilespmem:s21+$0x4950];
	_ =	sdelay $0x4  }
0x71: {  	[tilespmem:$0xCEC0] =	vst v1  }
0x72: {  	v1 =	vld [tilespmem:s21+$0x6550];
	_ =	sdelay $0x4  }
0x73: {  	[tilespmem:$0xCF40] =	vst v1  }
0x74: {  	v1 =	vld [tilespmem:s21+$0x8150];
	_ =	sdelay $0x4  }
0x75: {  	[tilespmem:$0xCFC0] =	vst v1  }
0x76: {  	[tilespmem:s25], [sflag:$0x1] =	stream.indirect.gather [spmem:s1], $0x1, s24, s23, $0xb8;
	[tilespmem:$0xD4D0] =	vst v63  }
0x77: {  	_ = 	snop  }
0x78: {  	[tilespmem:s26], [sflag:$0x1] =	stream.indirect.gather [spmem:s2], $0x1, s24, s23, $0xb8;
	[tilespmem:$0xD4D0] =	vst v63  }
0x79: {  	_ = 	snop  }
0x7a: {  	[tilespmem:s28], [sflag:$0x1] =	stream.indirect.gather [spmem:s3], $0x1, s24, s23, $0xb8;
	[tilespmem:$0xD4D0] =	vst v63  }
0x7b: {  	_ = 	snop  }
0x7c: {  	[tilespmem:s30], [sflag:$0x1] =	stream.indirect.gather [spmem:s1], $0x1, s29, s23, $0xb8;
	[tilespmem:$0xD4D0] =	vst v63  }
0x7d: {  	_ = 	snop  }
0x7e: {  	[tilespmem:s31], [sflag:$0x1] =	stream.indirect.gather [spmem:s2], $0x1, s29, s23, $0xb8;
	[tilespmem:$0xD4D0] =	vst v63  }
0x7f: {  	_ = 	snop  }
0x80: {  	[tilespmem:s0], [sflag:$0x1] =	stream.indirect.gather [spmem:s3], $0x1, s29, s23, $0xb8;
	[tilespmem:$0xD4D0] =	vst v63  }
0x81: {  	_ = 	snop  }
0x82: {  	[tilespmem:s5], [sflag:$0x1] =	stream.indirect.gather [spmem:s1], $0x1, s16, s23, $0xb8;
	[tilespmem:$0xD4D0] =	vst v63  }
0x83: {  	_ = 	snop  }
0x84: {  	[tilespmem:s6], [sflag:$0x1] =	stream.indirect.gather [spmem:s2], $0x1, s16, s23, $0xb8;
	[tilespmem:$0xD4D0] =	vst v63  }
0x85: {  	_ = 	snop  }
0x86: {  	[tilespmem:s7], [sflag:$0x1] =	stream.indirect.gather [spmem:s3], $0x1, s16, s23, $0xb8;
	[tilespmem:$0xD4D0] =	vst v63  }
0x87: {  	_ =	swait.ge [sflag:s15], $0x80  }
0x88: {  	[sflag:s15] =	ssyncset.done $0x0  }
0x89: {  	[sflag:s15] =	ssyncadd.s32 $0xFFFFFF80  }
0x8a: {  	_ =	swait.ge [sflag:s15], $0x80  }
0x8b: {  	[sflag:s15] =	ssyncset.done $0x0  }
0x8c: {  	[sflag:s15] =	ssyncadd.s32 $0xFFFFFF80  }
0x8d: {  	_ =	swait.ge [sflag:s15], $0x80  }
0x8e: {  	[sflag:s15] =	ssyncset.done $0x0  }
0x8f: {  	[sflag:s15] =	ssyncadd.s32 $0xFFFFFF80  }
0x90: {  	_ =	swait.ge [sflag:s15], $0x80  }
0x91: {  	[sflag:s15] =	ssyncset.done $0x0  }
0x92: {  	[sflag:s15] =	ssyncadd.s32 $0xFFFFFF80  }
0x93: {  	_ =	swait.ge [sflag:s15], $0x80  }
0x94: {  	[sflag:s15] =	ssyncset.done $0x0  }
0x95: {  	[sflag:s15] =	ssyncadd.s32 $0xFFFFFF80  }
0x96: {  	_ =	swait.ge [sflag:s15], $0x80  }
0x97: {  	[sflag:s15] =	ssyncset.done $0x0  }
0x98: {  	[sflag:s15] =	ssyncadd.s32 $0xFFFFFF80  }
0x99: {  	_ =	swait.ge [sflag:s15], $0x80  }
0x9a: {  	[sflag:s15] =	ssyncset.done $0x0  }
0x9b: {  	[sflag:s15] =	ssyncadd.s32 $0xFFFFFF80  }
0x9c: {  	_ =	swait.ge [sflag:s15], $0x80  }
0x9d: {  	[sflag:s15] =	ssyncset.done $0x0  }
0x9e: {  	[sflag:s15] =	ssyncadd.s32 $0xFFFFFF80  }
0x9f: {  	_ =	swait.ge [sflag:s15], $0x80  }
0xa0: {  	[sflag:s15] =	ssyncset.done $0x0  }
0xa1: {  	[sflag:s15] =	ssyncadd.s32 $0xFFFFFF80  }
0xa2: {  	v1 =	vld [tilespmem:$0xCFD0]  }
0xa3: {  	v2 =	vld [tilespmem:$0xD050]  }
0xa4: {  	v3 =	vld [tilespmem:$0xD0D0]  }
0xa5: {  	v4 =	vld [tilespmem:$0xD150]  }
0xa6: {  	v5 =	vld [tilespmem:$0xD1D0]  }
0xa7: {  	v6 =	vld [tilespmem:$0xD2D0]  }
0xa8: {  	v7 =	vld [tilespmem:$0xD350]  }
0xa9: {  	v8 =	vld [tilespmem:$0xD250]  }
0xaa: {  	v9 =	vld [tilespmem:$0xD3D0];
	_ =	sdelay $0x1  }
0xab: {  	v1 =	vsub.f32 v1, v4;
	v2 =	vsub.f32 v2, v5  }
0xac: {  	v4 =	vsub.f32 v6, v4;
	v5 =	vsub.f32 v7, v5  }
0xad: {  	v3 =	vsub.f32 v3, v8;
	v34 =	vmul.f32 v1, v1;
	v35 =	vmul.f32 v2, v2  }
0xae: {  	v8 =	vsub.f32 v9, v8;
	v36 =	vmul.f32 v4, v4;
	v10 =	vmul.f32 v5, v5  }
0xaf: {  	v37 =	vmul.f32 v3, v3  }
0xb0: {  	v38 =	vmul.f32 v8, v8;
	v6 =	vadd.f32 v35, v34;
	v9 =	vadd.f32 v10, v36;
	_ =	sdelay $0x1  }
0xb1: {  	v6 =	vadd.f32 v37, v6;
	v39 =	vadd.f32 v38, v9;
	_ =	sdelay $0x1  }
0xb2: {  	v6 =	vmul.f32 v39, v6;
	_ =	sdelay $0x1  }
0xb3: {  	v41 =	vld [tilespmem:$0xCFE0];
	v6 =	vmax.f32 v6, $1.000000000e-30  }
0xb4: {  	v11 =	vld [tilespmem:$0xD060];
	v40 =	vshrl.u32 v6, $0x1;
	v6 =	vmul.f32 $5.000000000e-01, v6  }
0xb5: {  	v12 =	vld [tilespmem:$0xD0E0];
	v7 =	vsub.s32 $0x5F3759DF, v40  }
0xb6: {  	v13 =	vld [tilespmem:$0xD160];
	v42 =	vmul.f32 v7, v6  }
0xb7: {  	v14 =	vld [tilespmem:$0xD1E0]  }
0xb8: {  	v16 =	vld [tilespmem:$0xD360];
	v10 =	vmul.f32 v7, v42  }
0xb9: {  	v15 =	vld [tilespmem:$0xD2E0]  }
0xba: {  	v43 =	vld [tilespmem:$0xD260];
	v10 =	vsub.f32 $1.500000000e+00, v10  }
0xbb: {  	v17 =	vld [tilespmem:$0xD3E0]  }
0xbc: {  	v11 =	vsub.f32 v11, v14;
	v7 =	vmul.f32 v7, v10  }
0xbd: {  	v14 =	vsub.f32 v16, v14;
	v9 =	vsub.f32 v41, v13  }
0xbe: {  	v45 =	vmul.f32 v11, v11;
	v13 =	vsub.f32 v15, v13;
	v18 =	vmul.f32 v7, v6  }
0xbf: {  	v12 =	vsub.f32 v12, v43;
	v19 =	vmul.f32 v14, v14;
	v44 =	vmul.f32 v9, v9  }
0xc0: {  	v46 =	vmul.f32 v13, v13;
	v10 =	vsub.f32 v17, v43;
	v18 =	vmul.f32 v18, v7  }
0xc1: {  	v47 =	vmul.f32 v12, v12;
	v15 =	vadd.f32 v45, v44  }
0xc2: {  	v17 =	vadd.f32 v19, v46;
	v48 =	vmul.f32 v10, v10;
	v18 =	vsub.f32 $1.500000000e+00, v18;
	_ =	sdelay $0x1  }
0xc3: {  	v15 =	vadd.f32 v47, v15;
	v49 =	vadd.f32 v48, v17;
	v7 =	vmul.f32 v18, v7;
	_ =	sdelay $0x1  }
0xc4: {  	v15 =	vmul.f32 v49, v15;
	v6 =	vmul.f32 v7, v6  }
0xc5: {  	v1 =	vmul.f32 v4, v1;
	v2 =	vmul.f32 v5, v2  }
0xc6: {  	v51 =	vmax.f32 v15, $1.000000000e-30;
	v50 =	vmul.f32 v6, v7  }
0xc7: {  	v1 =	vadd.f32 v2, v1;
	v2 =	vshrl.u32 v51, $0x1;
	v5 =	vmul.f32 $5.000000000e-01, v51  }
0xc8: {  	v3 =	vmul.f32 v8, v3;
	v2 =	vsub.s32 $0x5F3759DF, v2;
	v4 =	vsub.f32 $1.500000000e+00, v50  }
0xc9: {  	v52 =	vmul.f32 v2, v5  }
0xca: {  	v1 =	vadd.f32 v3, v1;
	v3 =	vmul.f32 v4, v7  }
0xcb: {  	v53 =	vmul.f32 v2, v52  }
0xcc: {  	v1 =	vmul.f32 v3, v1  }
0xcd: {  	v3 =	vsub.f32 $1.500000000e+00, v53  }
0xce: {  	v1 =	vmax.f32 v1, $-1.000000000e+00  }
0xcf: {  	v54 =	vmin.f32 v1, $1.000000000e+00;
	v1 =	vmul.f32 v2, v3  }
0xd0: {  	v2 =	vand.u32 $0x7FFFFFFF, v54  }
0xd1: {  	v3 =	vsub.f32 $1.000000000e+00, v2;
	v55 =	vmul.f32 v1, v5  }
0xd2: {  	v60 =	vld [tilespmem:$0xCFF0]  }
0xd3: {  	v61 =	vld [tilespmem:$0xD070];
	v11 =	vmul.f32 v14, v11;
	v56 =	vmax.f32 v3, $1.000000000e-30;
	v6 =	vmul.f32 v55, v1  }
0xd4: {  	v21 =	vld [tilespmem:$0xD1F0];
	v9 =	vmul.f32 v13, v9;
	v57 =	vshrl.u32 v56, $0x1;
	v7 =	vmul.f32 $5.000000000e-01, v56  }
0xd5: {  	v63 =	vld [tilespmem:$0xD170];
	v10 =	vmul.f32 v10, v12;
	v8 =	vsub.s32 $0x5F3759DF, v57;
	v6 =	vsub.f32 $1.500000000e+00, v6  }
0xd6: {  	v25 =	vld [tilespmem:$0xD370];
	v9 =	vadd.f32 v11, v9;
	v24 =	vmul.f32 $1.872929930e-02, v2;
	v58 =	vmul.f32 v8, v7  }
0xd7: {  	v1 =	vmul.f32 v6, v1  }
0xd8: {  	v62 =	vld [tilespmem:$0xD0F0];
	v9 =	vadd.f32 v10, v9;
	v10 =	vsub.f32 $7.426100220e-02, v24;
	v59 =	vmul.f32 v8, v58  }
0xd9: {  	v26 =	vld [tilespmem:$0xD270];
	v14 =	vsub.f32 v61, v21;
	v5 =	vmul.f32 v1, v5  }
0xda: {  	v23 =	vld [tilespmem:$0xD2F0];
	v13 =	vsub.f32 v60, v63;
	v10 =	vmul.f32 v10, v2;
	v6 =	vsub.f32 $1.500000000e+00, v59  }
0xdb: {  	v27 =	vld [tilespmem:$0xD3F0];
	v29 =	vmul.f32 v14, v14;
	v11 =	vsub.f32 v25, v21;
	v5 =	vmul.f32 v5, v1  }
0xdc: {  	v34 =	vld [tilespmem:$0xD080];
	v28 =	vmul.f32 v13, v13;
	v10 =	vadd.f32 $-2.121143940e-01, v10;
	v6 =	vmul.f32 v8, v6  }
0xdd: {  	v38 =	vld [tilespmem:$0xD200];
	v31 =	vmul.f32 v11, v11;
	v11 =	vmul.f32 v11, v14;
	v5 =	vsub.f32 $1.500000000e+00, v5  }
0xde: {  	v21 =	vld [tilespmem:$0xD000];
	v2 =	vmul.f32 v10, v2;
	v8 =	vsub.f32 v62, v26;
	v22 =	vmul.f32 v6, v7  }
0xdf: {  	v12 =	vadd.f32 v29, v28;
	v1 =	vmul.f32 v5, v1;
	v5 =	vsub.f32 v23, v63;
	v23 =	vld [tilespmem:$0xD180]  }
0xe0: {  	v25 =	vld [tilespmem:$0xD300];
	v2 =	vadd.f32 $1.570728780e+00, v2;
	v32 =	vmul.f32 v8, v8;
	v15 =	vmul.f32 v22, v6  }
0xe1: {  	v36 =	vld [tilespmem:$0xD100];
	v1 =	vmul.f32 v1, v9;
	v9 =	vsub.f32 v27, v26;
	v30 =	vmul.f32 v5, v5  }
0xe2: {  	vm0 =	vge.f32 v54, $0.0e+00;
	v12 =	vadd.f32 v32, v12;
	v27 =	vld [tilespmem:$0xD280];
	v15 =	vsub.f32 $1.500000000e+00, v15  }
0xe3: {  	v28 =	vld [tilespmem:$0xD400];
	v1 =	vmax.f32 v1, $-1.000000000e+00;
	v17 =	vadd.f32 v31, v30;
	v33 =	vmul.f32 v9, v9  }
0xe4: {  	v1 =	vmin.f32 v1, $1.000000000e+00;
	v6 =	vmul.f32 v15, v6;
	v41 =	vsub.f32 v21, v23  }
0xe5: {  	v15 =	vsub.f32 v34, v38;
	v23 =	vsub.f32 v25, v23;
	v18 =	vand.u32 $0x7FFFFFFF, v1  }
0xe6: {  	v40 =	vld [tilespmem:$0xD380];
	v5 =	vmul.f32 v5, v13;
	v35 =	vadd.f32 v33, v17;
	v20 =	vsub.f32 $1.000000000e+00, v18  }
0xe7: {  	v7 =	vmul.f32 v6, v7;
	v16 =	vsub.f32 v36, v27;
	v43 =	vmul.f32 v41, v41  }
0xe8: {  	v44 =	vmul.f32 v15, v15;
	v27 =	vsub.f32 v28, v27;
	v45 =	vmul.f32 v23, v23  }
0xe9: {  	v12 =	vmul.f32 v35, v12;
	v22 =	vmax.f32 v20, $1.000000000e-30;
	v7 =	vmul.f32 v7, v6  }
0xea: {  	v48 =	vmul.f32 v16, v16;
	v37 =	vshrl.u32 v22, $0x1;
	v22 =	vmul.f32 $5.000000000e-01, v22  }
0xeb: {  	v39 =	vmax.f32 v12, $1.000000000e-30;
	v12 =	vsub.f32 v40, v38;
	v19 =	vsub.s32 $0x5F3759DF, v37  }
0xec: {  	v26 =	vshrl.u32 v39, $0x1;
	v10 =	vmul.f32 $5.000000000e-01, v39;
	v7 =	vsub.f32 $1.500000000e+00, v7  }
0xed: {  	v24 =	vmul.f32 v19, v22;
	v26 =	vsub.s32 $0x5F3759DF, v26;
	v46 =	vmul.f32 v12, v12  }
0xee: {  	v5 =	vadd.f32 v11, v5;
	v29 =	vmul.f32 v26, v10;
	v6 =	vmul.f32 v7, v6  }
0xef: {  	v17 =	vadd.f32 v44, v43;
	v50 =	vmul.f32 v27, v27;
	v24 =	vmul.f32 v19, v24  }
0xf0: {  	v49 =	vadd.f32 v46, v45;
	v42 =	vmul.f32 v26, v29;
	v3 =	vmul.f32 v6, v3  }
0xf1: {  	v8 =	vmul.f32 v9, v8;
	v17 =	vadd.f32 v48, v17;
	v24 =	vsub.f32 $1.500000000e+00, v24  }
0xf2: {  	v51 =	vadd.f32 v50, v49;
	v47 =	vsub.f32 $1.500000000e+00, v42;
	v2 =	vmul.f32 v3, v2  }
0xf3: {  	v5 =	vadd.f32 v8, v5;
	v59 =	vmul.f32 $1.872929930e-02, v18;
	v3 =	vld [tilespmem:s21+$0x9CE0];
	v19 =	vmul.f32 v19, v24  }
0xf4: {  	v31 =	vld [tilespmem:$0xD010];
	v17 =	vmul.f32 v51, v17;
	v6 =	vmul.f32 v26, v47;
	v52 =	vsub.f32 $3.141592740e+00, v2  }
0xf5: {  	vm9 =	vge.f32 v1, $0.0e+00;
	v37 =	vld [tilespmem:$0xD190];
	v12 =	vmul.f32 v12, v15;
	v53 =	vmul.f32 v19, v22  }
0xf6: {  	v56 =	vmax.f32 v17, $1.000000000e-30;
	v54 =	vmul.f32 v6, v10;
	v2 =	vsel vm0, v2, v52  }
0xf7: {  	v58 =	vshrl.u32 v56, $0x1;
	v4 =	vmul.f32 $5.000000000e-01, v56;
	v55 =	vmul.f32 v53, v19  }
0xf8: {  	v3 =	vsub.f32 v2, v3;
	v21 =	vsub.s32 $0x5F3759DF, v58;
	v2 =	vmul.f32 v54, v6  }
0xf9: {  	v7 =	vmul.f32 v23, v41;
	v60 =	vmul.f32 v21, v4;
	v57 =	vsub.f32 $1.500000000e+00, v55  }
0xfa: {  	v43 =	vld [tilespmem:$0xD290];
	v16 =	vmul.f32 v27, v16;
	v14 =	vsub.f32 v31, v37;
	v2 =	vsub.f32 $1.500000000e+00, v2  }
0xfb: {  	v45 =	vld [tilespmem:$0xD410];
	v7 =	vadd.f32 v12, v7;
	v17 =	vmul.f32 v57, v19;
	v19 =	vmul.f32 v21, v60  }
0xfc: {  	v24 =	vsub.f32 $7.426100220e-02, v59;
	v47 =	vmul.f32 v14, v14;
	v2 =	vmul.f32 v2, v6  }
0xfd: {  	v61 =	vmul.f32 $2.200000000e-08, v3;
	v62 =	vmul.f32 v17, v22;
	v19 =	vsub.f32 $1.500000000e+00, v19  }
0xfe: {  	v39 =	vld [tilespmem:$0xD210];
	v7 =	vadd.f32 v16, v7;
	v63 =	vmul.f32 v24, v18;
	v10 =	vmul.f32 v2, v10  }
0xff: {  	v41 =	vld [tilespmem:$0xD390];
	v29 =	vadd.f32 $-6.999999870e-07, v61;
	v6 =	vmul.f32 v62, v17;
	v13 =	vmul.f32 v21, v19  }
0x100: {  	v15 =	vsub.f32 v45, v43;
	v22 =	vadd.f32 $-2.121143940e-01, v63;
	v10 =	vmul.f32 v10, v2  }
0x101: {  	v34 =	vld [tilespmem:$0xD090];
	v32 =	vmul.f32 v29, v3;
	v6 =	vsub.f32 $1.500000000e+00, v6;
	v28 =	vmul.f32 v13, v4  }
0x102: {  	v35 =	vld [tilespmem:$0xD110];
	v53 =	vmul.f32 v15, v15;
	v26 =	vmul.f32 v22, v18;
	v24 =	vsub.f32 $1.500000000e+00, v10  }
0x103: {  	v40 =	vld [tilespmem:$0xD310];
	v36 =	vadd.f32 $5.600000080e-05, v32;
	v6 =	vmul.f32 v6, v17;
	v11 =	vmul.f32 v28, v13  }
0x104: {  	v18 =	vsub.f32 v41, v39;
	v10 =	vadd.f32 $1.570728780e+00, v26;
	v2 =	vmul.f32 v24, v2  }
0x105: {  	v17 =	vmul.f32 v36, v3;
	v6 =	vmul.f32 v6, v20;
	v33 =	vsub.f32 $1.500000000e+00, v11  }
0x106: {  	v50 =	vmul.f32 v18, v18;
	v11 =	vsub.f32 v34, v39;
	v2 =	vmul.f32 v2, v5  }
0x107: {  	v17 =	vadd.f32 $-1.400000040e-02, v17;
	v6 =	vmul.f32 v6, v10;
	v8 =	vmul.f32 v33, v13  }
0x108: {  	v61 =	vld [tilespmem:s21+$0xB560];
	v13 =	vsub.f32 v40, v37;
	v10 =	vsub.f32 v35, v43;
	v48 =	vmul.f32 v11, v11  }
0x109: {  	v57 =	vmul.f32 v17, v3;
	v3 =	vmul.f32 v3, v3;
	v2 =	vmax.f32 v2, $-1.000000000e+00  }
0x10a: {  	v30 =	vld [tilespmem:s21+$0x9CF0];
	v11 =	vmul.f32 v18, v11;
	v2 =	vmin.f32 v2, $1.000000000e+00;
	v38 =	vsub.f32 $3.141592740e+00, v6  }
0x10b: {  	v1 =	vmul.f32 v8, v4;
	v49 =	vmul.f32 v13, v13;
	v4 =	vadd.f32 v48, v47  }
0x10c: {  	v51 =	vmul.f32 v10, v10;
	v12 =	vadd.f32 $1.000000000e+00, v57;
	v19 =	vand.u32 $0x7FFFFFFF, v2  }
0x10d: {  	v3 =	vmul.f32 v3, v61;
	v13 =	vmul.f32 v13, v14;
	v5 =	vsub.f32 $1.000000000e+00, v19  }
0x10e: {  	v6 =	vsel vm9, v6, v38;
	v1 =	vmul.f32 v1, v8;
	v52 =	vadd.f32 v50, v49  }
0x10f: {  	v10 =	vmul.f32 v15, v10;
	v4 =	vadd.f32 v51, v4;
	v6 =	vsub.f32 v6, v30  }
0x110: {  	v42 =	vmax.f32 v5, $1.000000000e-30;
	v1 =	vsub.f32 $1.500000000e+00, v1;
	v56 =	vadd.f32 v53, v52  }
0x111: {  	v44 =	vshrl.u32 v42, $0x1;
	v21 =	vmul.f32 $5.000000000e-01, v42;
	v54 =	vmul.f32 $2.200000000e-08, v6  }
0x112: {  	vm10 =	vge.f32 v2, $0.0e+00;
	v9 =	vsub.s32 $0x5F3759DF, v44;
	v1 =	vmul.f32 v1, v8  }
0x113: {  	v59 =	vmul.f32 v56, v4;
	v46 =	vmul.f32 v9, v21;
	v58 =	vadd.f32 $-6.999999870e-07, v54  }
0x114: {  	v37 =	vmul.f32 $1.872929930e-02, v19;
	v11 =	vadd.f32 v11, v13;
	v1 =	vmul.f32 v1, v7  }
0x115: {  	v42 =	vld [tilespmem:$0xD0A0];
	v60 =	vmax.f32 v59, $1.000000000e-30;
	v55 =	vmul.f32 v9, v46;
	v16 =	vmul.f32 v58, v6  }
0x116: {  	v62 =	vshrl.u32 v60, $0x1;
	v63 =	vmul.f32 $5.000000000e-01, v60;
	v46 =	vld [tilespmem:$0xD220];
	v1 =	vmax.f32 v1, $-1.000000000e+00  }
0x117: {  	v20 =	vsub.s32 $0x5F3759DF, v62;
	v7 =	vsub.f32 $1.500000000e+00, v55;
	v1 =	vmin.f32 v1, $1.000000000e+00  }
0x118: {  	v16 =	vadd.f32 $5.600000080e-05, v16;
	v35 =	vmul.f32 v20, v63;
	v8 =	vand.u32 $0x7FFFFFFF, v1  }
0x119: {  	v10 =	vadd.f32 v10, v11;
	v9 =	vmul.f32 v9, v7;
	v4 =	vsub.f32 $1.000000000e+00, v8  }
0x11a: {  	v47 =	vld [tilespmem:$0xD3A0];
	vm11 =	vge.f32 v1, $0.0e+00;
	v16 =	vmul.f32 v16, v6;
	v25 =	vmul.f32 v20, v35  }
0x11b: {  	v45 =	vld [tilespmem:$0xD1A0];
	v14 =	vsub.f32 v42, v46;
	v32 =	vmul.f32 v9, v21;
	v33 =	vmax.f32 v4, $1.000000000e-30  }
0x11c: {  	v39 =	vld [tilespmem:s21+$0xB570];
	v16 =	vadd.f32 $-1.400000040e-02, v16;
	v25 =	vsub.f32 $1.500000000e+00, v25;
	v23 =	vmul.f32 $5.000000000e-01, v33  }
0x11d: {  	v40 =	vld [tilespmem:$0xD020];
	v34 =	vshrl.u32 v33, $0x1;
	v53 =	vmul.f32 v14, v14;
	v7 =	vmul.f32 v32, v9  }
0x11e: {  	v24 =	vsub.s32 $0x5F3759DF, v34;
	v16 =	vmul.f32 v16, v6;
	v20 =	vmul.f32 v20, v25  }
0x11f: {  	v43 =	vld [tilespmem:$0xD120];
	v6 =	vmul.f32 v6, v6;
	v32 =	vmul.f32 $1.872929930e-02, v8;
	v25 =	vsub.f32 v47, v46  }
0x120: {  	v33 =	vld [tilespmem:$0xD2A0];
	v36 =	vmul.f32 v24, v23;
	v38 =	vsub.f32 $1.500000000e+00, v7;
	v7 =	vmul.f32 v12, v3  }
0x121: {  	v3 =	vsub.f32 $7.426100220e-02, v37;
	v44 =	vmul.f32 v20, v63;
	v16 =	vadd.f32 $1.000000000e+00, v16  }
0x122: {  	v6 =	vmul.f32 v6, v39;
	v12 =	vsub.f32 v40, v45;
	v26 =	vmul.f32 v24, v36  }
0x123: {  	v49 =	vld [tilespmem:$0xD420];
	v50 =	vsub.f32 $7.426100220e-02, v32;
	v56 =	vmul.f32 v25, v25;
	v9 =	vmul.f32 v38, v9  }
0x124: {  	v60 =	vld [tilespmem:$0xD130];
	v3 =	vmul.f32 v3, v19;
	v52 =	vmul.f32 v12, v12;
	v41 =	vsub.f32 $1.500000000e+00, v26  }
0x125: {  	v38 =	vld [tilespmem:$0xD2B0];
	v7 =	vadd.f32 v7, v0;
	v26 =	vsub.f32 v43, v33;
	v21 =	vmul.f32 v9, v21  }
0x126: {  	v3 =	vadd.f32 $-2.121143940e-01, v3;
	v17 =	vmul.f32 v24, v41;
	v24 =	vmul.f32 v44, v20  }
0x127: {  	v31 =	vld [tilespmem:$0xD320];
	v59 =	vadd.f32 v53, v52;
	v61 =	vmul.f32 v26, v26;
	v21 =	vmul.f32 v21, v9  }
0x128: {  	v19 =	vmul.f32 v3, v19;
	v3 =	vmul.f32 v16, v6;
	v16 =	vsub.f32 v49, v33  }
0x129: {  	v35 =	vld [tilespmem:$0xD230];
	v14 =	vmul.f32 v25, v14;
	v24 =	vsub.f32 $1.500000000e+00, v24;
	v36 =	vadd.f32 v61, v59  }
0x12a: {  	v41 =	vld [tilespmem:$0xD3B0];
	v30 =	vmul.f32 v17, v23;
	v27 =	vsub.f32 v60, v38;
	v21 =	vsub.f32 $1.500000000e+00, v21  }
0x12b: {  	v48 =	vadd.f32 $1.570728780e+00, v19;
	v62 =	vmul.f32 v16, v16;
	v19 =	vmul.f32 v50, v8  }
0x12c: {  	v43 =	vld [tilespmem:$0xD430];
	v16 =	vmul.f32 v16, v26;
	v20 =	vmul.f32 v24, v20;
	v24 =	vsub.f32 v31, v45  }
0x12d: {  	v57 =	vld [tilespmem:$0xD0B0];
	v3 =	vadd.f32 v3, v7;
	v30 =	vmul.f32 v30, v17;
	v9 =	vmul.f32 v21, v9  }
0x12e: {  	v54 =	vld [tilespmem:$0xD030];
	v44 =	vadd.f32 $-2.121143940e-01, v19;
	v22 =	vmul.f32 v20, v63;
	v55 =	vmul.f32 v24, v24  }
0x12f: {  	v15 =	vsub.f32 v41, v35;
	v51 =	vsub.f32 $1.500000000e+00, v30;
	v63 =	vld [tilespmem:$0xD1B0];
	v12 =	vmul.f32 v24, v12  }
0x130: {  	v46 =	vld [tilespmem:$0xD040];
	v5 =	vmul.f32 v9, v5;
	v58 =	vmul.f32 v22, v20;
	v30 =	vadd.f32 v56, v55  }
0x131: {  	v40 =	vld [tilespmem:$0xD330];
	v8 =	vmul.f32 v44, v8;
	v17 =	vmul.f32 v51, v17;
	v22 =	vsub.f32 v43, v38  }
0x132: {  	v49 =	vld [tilespmem:$0xD140];
	v6 =	vmul.f32 v5, v48;
	v34 =	vsub.f32 $1.500000000e+00, v58;
	v37 =	vadd.f32 v62, v30  }
0x133: {  	v50 =	vld [tilespmem:$0xD1C0];
	v45 =	vmul.f32 v17, v23;
	v30 =	vsub.f32 v57, v35;
	v35 =	vmul.f32 v15, v15  }
0x134: {  	v48 =	vld [tilespmem:$0xD0C0];
	v38 =	vmul.f32 v22, v22;
	v29 =	vsub.f32 v54, v63;
	v54 =	vmul.f32 v27, v27  }
0x135: {  	v12 =	vadd.f32 v14, v12;
	v39 =	vmul.f32 v34, v20;
	v9 =	vmul.f32 v37, v36;
	v34 =	vld [tilespmem:$0xD240]  }
0x136: {  	v13 =	vsub.f32 v40, v63;
	v52 =	vmul.f32 v30, v30;
	v36 =	vld [tilespmem:$0xD340];
	v19 =	vmul.f32 v45, v17  }
0x137: {  	v8 =	vadd.f32 $1.570728780e+00, v8;
	v37 =	vld [tilespmem:$0xD3C0];
	v2 =	vmul.f32 v15, v30;
	v51 =	vmul.f32 v29, v29  }
0x138: {  	v20 =	vsub.f32 v46, v50;
	v53 =	vmul.f32 v13, v13;
	v42 =	vmul.f32 v39, v10;
	v39 =	vld [tilespmem:$0xD2C0]  }
0x139: {  	v55 =	vld [tilespmem:$0xD440];
	v13 =	vmul.f32 v13, v29;
	v9 =	vmax.f32 v9, $1.000000000e-30;
	v32 =	vadd.f32 v52, v51  }
0x13a: {  	v56 =	vmul.f32 v20, v20;
	v47 =	vshrl.u32 v9, $0x1;
	v35 =	vadd.f32 v35, v53  }
0x13b: {  	v23 =	vmul.f32 $5.000000000e-01, v9;
	v32 =	vadd.f32 v54, v32;
	v28 =	vsub.f32 v48, v34  }
0x13c: {  	v21 =	vsub.s32 $0x5F3759DF, v47;
	v18 =	vsub.f32 v36, v50;
	v34 =	vsub.f32 v37, v34  }
0x13d: {  	v35 =	vadd.f32 v38, v35;
	v31 =	vsub.f32 v49, v39;
	v57 =	vmul.f32 v28, v28  }
0x13e: {  	v33 =	vsub.f32 v55, v39;
	v58 =	vmul.f32 v18, v18;
	v59 =	vmul.f32 v34, v34  }
0x13f: {  	v9 =	vmul.f32 v21, v23;
	v32 =	vmul.f32 v35, v32;
	v35 =	vadd.f32 v57, v56  }
0x140: {  	v61 =	vmul.f32 v31, v31;
	v37 =	vadd.f32 v59, v58;
	v62 =	vmul.f32 v33, v33  }
0x141: {  	v5 =	vmax.f32 v42, $-1.000000000e+00;
	v42 =	vsub.f32 $1.500000000e+00, v19;
	v9 =	vmul.f32 v21, v9  }
0x142: {  	v32 =	vmax.f32 v32, $1.000000000e-30;
	v35 =	vadd.f32 v61, v35;
	v37 =	vadd.f32 v62, v37  }
0x143: {  	v5 =	vmin.f32 v5, $1.000000000e+00;
	v63 =	vshrl.u32 v32, $0x1;
	v32 =	vmul.f32 $5.000000000e-01, v32  }
0x144: {  	v40 =	vsub.f32 $1.500000000e+00, v9;
	v36 =	vsub.s32 $0x5F3759DF, v63;
	v35 =	vmul.f32 v37, v35  }
0x145: {  	v10 =	vand.u32 $0x7FFFFFFF, v5;
	v11 =	vmul.f32 v42, v17;
	v43 =	vmul.f32 v36, v32  }
0x146: {  	v9 =	vsub.f32 $1.000000000e+00, v10;
	v21 =	vmul.f32 v21, v40;
	v35 =	vmax.f32 v35, $1.000000000e-30  }
0x147: {  	v19 =	vmul.f32 v36, v43;
	v47 =	vshrl.u32 v35, $0x1;
	v35 =	vmul.f32 $5.000000000e-01, v35  }
0x148: {  	v0 =	vmul.f32 $1.872929930e-02, v10;
	v60 =	vmul.f32 v21, v23;
	v24 =	vsub.s32 $0x5F3759DF, v47  }
0x149: {  	v44 =	vmax.f32 v9, $1.000000000e-30;
	v19 =	vsub.f32 $1.500000000e+00, v19;
	v48 =	vmul.f32 v24, v35  }
0x14a: {  	v45 =	vshrl.u32 v44, $0x1;
	v38 =	vmul.f32 $5.000000000e-01, v44;
	v39 =	vmul.f32 v60, v21  }
0x14b: {  	v46 =	vsub.s32 $0x5F3759DF, v45;
	v19 =	vmul.f32 v36, v19;
	v25 =	vmul.f32 v24, v48  }
0x14c: {  	v30 =	vmul.f32 v34, v28;
	v37 =	vmul.f32 v46, v38;
	v39 =	vsub.f32 $1.500000000e+00, v39  }
0x14d: {  	v4 =	vmul.f32 v11, v4;
	v36 =	vmul.f32 v19, v32;
	v52 =	vsub.f32 $1.500000000e+00, v25  }
0x14e: {  	v12 =	vadd.f32 v16, v12;
	v49 =	vmul.f32 v46, v37;
	v21 =	vmul.f32 v39, v21  }
0x14f: {  	v2 =	vadd.f32 v2, v13;
	v50 =	vmul.f32 v36, v19;
	v14 =	vmul.f32 v24, v52  }
0x150: {  	v33 =	vmul.f32 v33, v31;
	v51 =	vsub.f32 $1.500000000e+00, v49;
	v23 =	vmul.f32 v21, v23  }
0x151: {  	v4 =	vmul.f32 v4, v8;
	v54 =	vsub.f32 $1.500000000e+00, v50;
	v56 =	vmul.f32 v14, v35  }
0x152: {  	vm12 =	vge.f32 v5, $0.0e+00;
	v11 =	vmul.f32 v46, v51;
	v23 =	vmul.f32 v23, v21  }
0x153: {  	v58 =	vsub.f32 $7.426100220e-02, v0;
	v55 =	vmul.f32 v54, v19;
	v57 =	vmul.f32 v56, v14  }
0x154: {  	v60 =	vmul.f32 v22, v27;
	v59 =	vmul.f32 v11, v38;
	v23 =	vsub.f32 $1.500000000e+00, v23  }
0x155: {  	v27 =	vmul.f32 v18, v20;
	v19 =	vmul.f32 v55, v32;
	v15 =	vsub.f32 $1.500000000e+00, v57  }
0x156: {  	v47 =	vsub.f32 $3.141592740e+00, v6;
	v13 =	vmul.f32 v59, v11;
	v53 =	vmul.f32 v23, v21  }
0x157: {  	v2 =	vadd.f32 v60, v2;
	v0 =	vmul.f32 v19, v55;
	v62 =	vmul.f32 v15, v14  }
0x158: {  	v6 =	vsel vm10, v6, v47;
	v13 =	vsub.f32 $1.500000000e+00, v13;
	v12 =	vmul.f32 v53, v12  }
0x159: {  	v25 =	vmul.f32 v58, v10;
	v56 =	vld [tilespmem:s21+$0x9D00];
	v61 =	vsub.f32 $1.500000000e+00, v0;
	v26 =	vmul.f32 v62, v35  }
0x15a: {  	v11 =	vmul.f32 v13, v11;
	v57 =	vsub.f32 $3.141592740e+00, v4;
	v12 =	vmax.f32 v12, $-1.000000000e+00  }
0x15b: {  	v0 =	vmin.f32 v12, $1.000000000e+00;
	v24 =	vmul.f32 v61, v55;
	v19 =	vmul.f32 v26, v62  }
0x15c: {  	v15 =	vadd.f32 v30, v27;
	v4 =	vsel vm11, v4, v57;
	v63 =	vand.u32 $0x7FFFFFFF, v0  }
0x15d: {  	v58 =	vld [tilespmem:s21+$0x9D10];
	v17 =	vsub.f32 $1.000000000e+00, v63;
	v2 =	vmul.f32 v24, v2;
	v19 =	vsub.f32 $1.500000000e+00, v19  }
0x15e: {  	v6 =	vsub.f32 v6, v56;
	v15 =	vadd.f32 v33, v15;
	v35 =	vmul.f32 v11, v38  }
0x15f: {  	v29 =	vmax.f32 v17, $1.000000000e-30;
	v2 =	vmax.f32 v2, $-1.000000000e+00;
	v12 =	vmul.f32 v19, v62  }
0x160: {  	v32 =	vshrl.u32 v29, $0x1;
	v18 =	vmul.f32 $5.000000000e-01, v29;
	v2 =	vmin.f32 v2, $1.000000000e+00  }
0x161: {  	v13 =	vsub.s32 $0x5F3759DF, v32;
	v34 =	vand.u32 $0x7FFFFFFF, v2;
	v12 =	vmul.f32 v12, v15  }
0x162: {  	v4 =	vsub.f32 v4, v58;
	v36 =	vmul.f32 v13, v18;
	v37 =	vsub.f32 $1.000000000e+00, v34  }
0x163: {  	vm13 =	vge.f32 v0, $0.0e+00;
	v39 =	vmul.f32 v35, v11;
	v12 =	vmax.f32 v12, $-1.000000000e+00  }
0x164: {  	v40 =	vmul.f32 v13, v36;
	v41 =	vmax.f32 v37, $1.000000000e-30;
	v12 =	vmin.f32 v12, $1.000000000e+00  }
0x165: {  	v42 =	vshrl.u32 v41, $0x1;
	v19 =	vmul.f32 $5.000000000e-01, v41;
	v44 =	vand.u32 $0x7FFFFFFF, v12  }
0x166: {  	v16 =	vsub.f32 $1.500000000e+00, v40;
	v20 =	vsub.s32 $0x5F3759DF, v42;
	v46 =	vsub.f32 $1.000000000e+00, v44  }
0x167: {  	v38 =	vadd.f32 $-2.121143940e-01, v25;
	v49 =	vmul.f32 $1.872929930e-02, v63;
	v43 =	vmul.f32 v20, v19  }
0x168: {  	v15 =	vsub.f32 $1.500000000e+00, v39;
	v45 =	vmul.f32 v13, v16;
	v51 =	vmax.f32 v46, $1.000000000e-30  }
0x169: {  	v48 =	vmul.f32 v20, v43;
	v52 =	vshrl.u32 v51, $0x1;
	v26 =	vmul.f32 $5.000000000e-01, v51  }
0x16a: {  	v11 =	vmul.f32 v15, v11;
	v50 =	vmul.f32 v45, v18;
	v27 =	vsub.s32 $0x5F3759DF, v52  }
0x16b: {  	v8 =	vmul.f32 v38, v10;
	v15 =	vsub.f32 $1.500000000e+00, v48;
	v53 =	vmul.f32 v27, v26  }
0x16c: {  	v23 =	vsub.f32 $7.426100220e-02, v49;
	v9 =	vmul.f32 v11, v9;
	v25 =	vmul.f32 v50, v45  }
0x16d: {  	v8 =	vadd.f32 $1.570728780e+00, v8;
	v15 =	vmul.f32 v20, v15;
	v16 =	vmul.f32 v27, v53  }
0x16e: {  	v54 =	vmul.f32 v23, v63;
	v61 =	vmul.f32 $1.872929930e-02, v34;
	v55 =	vsub.f32 $1.500000000e+00, v25  }
0x16f: {  	v29 =	vld [tilespmem:s21+$0x9D20];
	v8 =	vmul.f32 v9, v8;
	v1 =	vmul.f32 v15, v19;
	v16 =	vsub.f32 $1.500000000e+00, v16  }
0x170: {  	v36 =	vmul.f32 $2.200000000e-08, v4;
	v11 =	vadd.f32 $-2.121143940e-01, v54;
	v10 =	vmul.f32 v55, v45  }
0x171: {  	v28 =	vsub.f32 $3.141592740e+00, v8;
	v1 =	vmul.f32 v1, v15;
	v59 =	vmul.f32 v27, v16  }
0x172: {  	vm14 =	vge.f32 v2, $0.0e+00;
	v11 =	vmul.f32 v11, v63;
	v18 =	vmul.f32 v10, v18  }
0x173: {  	v8 =	vsel vm12, v8, v28;
	v1 =	vsub.f32 $1.500000000e+00, v1;
	v62 =	vmul.f32 v59, v26  }
0x174: {  	v63 =	vmul.f32 $2.200000000e-08, v6;
	v8 =	vsub.f32 v8, v29;
	v60 =	vmul.f32 v18, v10  }
0x175: {  	v18 =	vsub.f32 $7.426100220e-02, v61;
	v1 =	vmul.f32 v1, v15;
	v7 =	vmul.f32 v62, v59  }
0x176: {  	v11 =	vadd.f32 $1.570728780e+00, v11;
	v39 =	vmul.f32 $2.200000000e-08, v8;
	v16 =	vsub.f32 $1.500000000e+00, v60  }
0x177: {  	v25 =	vmul.f32 v18, v34;
	v20 =	vmul.f32 v1, v19;
	v7 =	vsub.f32 $1.500000000e+00, v7  }
0x178: {  	v27 =	vmul.f32 $1.872929930e-02, v44;
	v15 =	vadd.f32 $-6.999999870e-07, v63;
	v23 =	vmul.f32 v16, v10  }
0x179: {  	v10 =	vadd.f32 $-2.121143940e-01, v25;
	v9 =	vmul.f32 v20, v1;
	v7 =	vmul.f32 v7, v59  }
0x17a: {  	v16 =	vsub.f32 $7.426100220e-02, v27;
	v15 =	vmul.f32 v15, v6;
	v5 =	vmul.f32 v23, v17  }
0x17b: {  	v10 =	vmul.f32 v10, v34;
	v9 =	vsub.f32 $1.500000000e+00, v9;
	v30 =	vmul.f32 v7, v26  }
0x17c: {  	v32 =	vmul.f32 v16, v44;
	v31 =	vadd.f32 $5.600000080e-05, v15;
	v5 =	vmul.f32 v5, v11  }
0x17d: {  	vm15 =	vge.f32 v12, $0.0e+00;
	v1 =	vmul.f32 v9, v1;
	v9 =	vmul.f32 v30, v7  }
0x17e: {  	v33 =	vld [tilespmem:s21+$0xB580];
	v10 =	vadd.f32 $1.570728780e+00, v10;
	v15 =	vadd.f32 $-2.121143940e-01, v32;
	v14 =	vmul.f32 v31, v6  }
0x17f: {  	v34 =	vld [tilespmem:s21+$0x9D30];
	v35 =	vsub.f32 $3.141592740e+00, v5;
	v1 =	vmul.f32 v1, v37;
	v9 =	vsub.f32 $1.500000000e+00, v9  }
0x180: {  	v11 =	vadd.f32 $-6.999999870e-07, v39;
	v15 =	vmul.f32 v15, v44;
	v14 =	vadd.f32 $-1.400000040e-02, v14  }
0x181: {  	v40 =	vld [tilespmem:s21+$0x9D40];
	v5 =	vsel vm13, v5, v35;
	v1 =	vmul.f32 v1, v10;
	v0 =	vmul.f32 v9, v7  }
0x182: {  	v38 =	vadd.f32 $1.570728780e+00, v15;
	v37 =	vmul.f32 v14, v6;
	v6 =	vmul.f32 v6, v6  }
0x183: {  	v7 =	vadd.f32 $-6.999999870e-07, v36;
	v41 =	vsub.f32 $3.141592740e+00, v1;
	v0 =	vmul.f32 v0, v46  }
0x184: {  	v5 =	vsub.f32 v5, v34;
	v6 =	vmul.f32 v6, v33;
	v9 =	vadd.f32 $1.000000000e+00, v37  }
0x185: {  	v2 =	vld [tilespmem:s21+$0x9D50];
	v7 =	vmul.f32 v7, v4;
	v1 =	vsel vm14, v1, v41;
	v0 =	vmul.f32 v0, v38  }
0x186: {  	v11 =	vmul.f32 v11, v8;
	v43 =	vmul.f32 $2.200000000e-08, v5;
	v1 =	vsub.f32 v1, v40  }
0x187: {  	v44 =	vld [tilespmem:s21+$0xB590];
	v6 =	vmul.f32 v9, v6;
	v7 =	vadd.f32 $5.600000080e-05, v7;
	v42 =	vsub.f32 $3.141592740e+00, v0  }
0x188: {  	v45 =	vadd.f32 $5.600000080e-05, v11;
	v46 =	vadd.f32 $-6.999999870e-07, v43;
	v47 =	vmul.f32 $2.200000000e-08, v1  }
0x189: {  	v3 =	vadd.f32 v6, v3;
	v7 =	vmul.f32 v7, v4;
	v0 =	vsel vm15, v0, v42  }
0x18a: {  	v50 =	vmul.f32 v4, v4;
	v6 =	vadd.f32 $-6.999999870e-07, v47;
	v0 =	vsub.f32 v0, v2  }
0x18b: {  	v48 =	vmul.f32 v45, v8;
	v49 =	vmul.f32 v46, v5;
	v2 =	vadd.f32 $-1.400000040e-02, v7  }
0x18c: {  	v6 =	vmul.f32 v6, v1;
	v51 =	vmul.f32 $2.200000000e-08, v0  }
0x18d: {  	v9 =	vmul.f32 v50, v44;
	v10 =	vadd.f32 $5.600000080e-05, v49;
	v2 =	vmul.f32 v2, v4  }
0x18e: {  	v59 =	vmul.f32 v1, v1;
	v6 =	vadd.f32 $5.600000080e-05, v6;
	v53 =	vadd.f32 $-6.999999870e-07, v51  }
0x18f: {  	v52 =	vld [tilespmem:s21+$0xB5A0];
	v10 =	vmul.f32 v10, v5;
	v7 =	vadd.f32 $-1.400000040e-02, v48;
	v2 =	vadd.f32 $1.000000000e+00, v2  }
0x190: {  	v54 =	vld [tilespmem:s21+$0xB5B0];
	v6 =	vmul.f32 v6, v1;
	v11 =	vmul.f32 v53, v0  }
0x191: {  	v55 =	vadd.f32 $-1.400000040e-02, v10;
	v7 =	vmul.f32 v7, v8;
	v2 =	vmul.f32 v2, v9  }
0x192: {  	v56 =	vld [tilespmem:s21+$0xB5C0];
	v8 =	vmul.f32 v8, v8;
	v6 =	vadd.f32 $-1.400000040e-02, v6;
	v57 =	vadd.f32 $5.600000080e-05, v11  }
0x193: {  	v2 =	vadd.f32 v2, v3;
	v3 =	vmul.f32 v55, v5;
	v5 =	vmul.f32 v5, v5  }
0x194: {  	v7 =	vadd.f32 $1.000000000e+00, v7;
	v4 =	vmul.f32 v8, v52;
	v58 =	vmul.f32 v57, v0  }
0x195: {  	v60 =	vld [tilespmem:s21+$0xB5D0];
	v1 =	vmul.f32 v6, v1;
	v3 =	vadd.f32 $1.000000000e+00, v3;
	v5 =	vmul.f32 v5, v54  }
0x196: {  	v4 =	vmul.f32 v7, v4;
	v61 =	vadd.f32 $-1.400000040e-02, v58  }
0x197: {  	v62 =	vmul.f32 v59, v56;
	v1 =	vadd.f32 $1.000000000e+00, v1;
	v3 =	vmul.f32 v3, v5  }
0x198: {  	v2 =	vadd.f32 v4, v2;
	v63 =	vmul.f32 v61, v0;
	v0 =	vmul.f32 v0, v0  }
0x199: {  	p3 =	sne.s32 s20, $0x61C0;
	v1 =	vmul.f32 v1, v62  }
.Ltmp5:
0x19a: {  	v2 =	vadd.f32 v3, v2;
	v3 =	vadd.f32 $1.000000000e+00, v63;
	v0 =	vmul.f32 v0, v60;
	(pc) =	sbr.rel @p3 .LBB2_9-.Ltmp5, $3  }
0x19b: {  	_ = 	snop  }
0x19c: {  	v1 =	vadd.f32 v1, v2;
	v0 =	vmul.f32 v3, v0;
	_ =	sdelay $0x1  }
0x19d: {  	s20 =	sadd.s32 $0x200, s20;
	v0 =	vadd.f32 v0, v1  }
0x19e: {  	s19 =	sadd.s32 $0x1, s19  }
0x19f: {  	p3 =	sne.s32 s19, s14  }
.Ltmp6:
0x1a0: {  	[tilespmem:$0xD450] =	vst v0;
	(pc) =	sbr.rel @p3 .LBB2_1-.Ltmp6, $4  }
0x1a1: {  	[hbm4b:s13+s4] =	stream.linear.scatter [tilespmem:s18], [sflag:$0x2], $0x80, $0x38;
	[tilespmem:$0xD4D0] =	vst v63  }
0x1a2: {  	_ =	swait.ge [sflag:s17], $0x80  }
0x1a3: {  	[sflag:s17] =	ssyncset.done $0x0  }
0x1a4: {  	[sflag:s17] =	ssyncadd.s32 $0xFFFFFF80  }
0x1a5: {  	_ =	sfence.sel $0x180000  }
0x1a6: {  	[bflag:$0x0] =	sbarrier.arrive $0xFFFF  }
0x1a7: {  	_ =	strace $0x90000047  }
0x1a8: {  	[bflag:$0x2] =	sbarrier.arrive $0xFFFF  }
0x1a9: {  	s0 =	rddreg [dreg:$0x4]  }
0x1aa: {  	s0 =	sadd.s32 @!p1 $0x100000, s0  }
0x1ab: {  	[sflag:s0] =	ssyncadd.tile.s32 @!p1 $0x1;
	_ =	shalt  }
.Lfunc_end2:
_tile_overlayer_lowered:
.L_overlay_start_2:
0x1ac: {  	(tag) =	ssettag $0x2  }
0x1ad: {  	s0 =	rddreg [dreg:$0x0];
	s2 =	stileid.u32  }
0x1ae: {  	s1 =	rddreg [dreg:$0x1];
	p0 =	sne.s32 s2, $0x0  }
0x1af: {  	s3 =	rddreg [dreg:$0x2];
	[bflag:$0x3] =	sbarrier.arrive $0xFFFF;
	s2 =	simm.s32 @!p0 $0x1C02  }
0x1b0: {  	[timem:s3], [sflag:s2] =	dma.local @!p0 [hbm:s0], s1  }
0x1b1: {  	s0 =	simm.s32 @!p0 $0x2  }
0x1b2: {  	_ =	swait.ge @!p0 [sflag:s0], s1  }
0x1b3: {  	s1 =	ssub.s32 @!p0 $0x0, s1;
	[sflag:s0] =	ssyncset.done @!p0 $0x0  }
0x1b4: {  	[sflag:s0] =	ssyncadd.s32 @!p0 s1  }
0x1b5: {  	[bflag:$0x3] =	sbarrier.arrive $0xFFFF  }
0x1b6: {  	_ =	shalt  }

</sc_bundles>
